<compile_context>
chip_gen: v7x
topology: tpu7x:2x2x1
jax: 0.10.2.dev20260603
libtpu: 0.0.44.dev20260713+nightly
codegen_flags: <defaults>
</compile_context>

<pallas_src>
import jax
import jax.numpy as jnp
from jax import lax
from jax.experimental import pallas as pl
from jax.experimental.pallas import tpu as pltpu
from jax.experimental.pallas import tpu_sc as plsc

_NUM_CORES = 2
_NUM_SUBCORES = 16
_NUM_WORKERS = _NUM_CORES * _NUM_SUBCORES
_LANES = 16

_BATCH = 4096
_SEQ = 200
_EMBED = 64
_PT = _SEQ // 8
_BT = _BATCH // 128
_TP = 133
_NG = 7
_NT = 3
_LAG = 5


def _sc_body(x_hbm, pe_hbm, table_hbm, out_hbm, idx_v, pe_v, g_v, t_v,
             sem_g, sem_s):
  w = lax.axis_index("s") * _NUM_CORES + lax.axis_index("c")

  pltpu.sync_copy(x_hbm.at[:, w], idx_v)
  pltpu.sync_copy(pe_hbm, pe_v)

  iota = lax.iota(jnp.int32, _LANES)
  idx_dr = [(16 * j + iota) // 8 for j in range(_EMBED // _LANES)]
  idx_sl = [lax.rem(16 * j + iota, 8) for j in range(_EMBED // _LANES)]

  def gather(p):
    pltpu.async_copy(
        table_hbm.at[idx_v.at[p // 8, lax.rem(p, 8)]],
        g_v.at[lax.rem(p, _NG)], sem_g)

  def drain_gather(p):
    pltpu.make_async_copy(
        table_hbm.at[idx_v.at[p // 8, lax.rem(p, 8)]],
        g_v.at[lax.rem(p, _NG)], sem_g).wait()

  def store(p):
    pltpu.async_copy(t_v.at[lax.rem(p, _NT), :, :, pl.ds(0, 128)],
                     out_hbm.at[p, :, w], sem_s)

  def drain_store():
    pltpu.make_async_copy(
        t_v.at[0, :, :, pl.ds(0, 128)], out_hbm.at[0, :, 0], sem_s).wait()

  for p in range(_LAG):
    gather(p)

  def body(p, _):
    @pl.when(p + _LAG < _SEQ)
    def _():
      gather(p + _LAG)

    drain_gather(p)

    @pl.when(p >= _NT)
    def _():
      drain_store()

    s = lax.rem(p, _NG)
    ts = lax.rem(p, _NT)
    t3 = t_v.at[ts]
    pvec = [pe_v[p, pl.ds(_LANES * j, _LANES)]
            for j in range(_EMBED // _LANES)]

    def token(i):
      lane_i = jnp.full((_LANES,), i, jnp.int32)
      for j in range(_EMBED // _LANES):
        vals = g_v[s, i, pl.ds(_LANES * j, _LANES)] + pvec[j]
        plsc.store_scatter(t3, [idx_dr[j], idx_sl[j], lane_i], vals)

    plsc.parallel_loop(0, 128, 1, unroll=4)(token)
    store(p)
    return 0

  lax.fori_loop(0, _SEQ, body, 0)

  for _ in range(_NT):
    drain_store()


@jax.jit
def _pe_lookup(x4, table2, pe):
  mesh = plsc.VectorSubcoreMesh(core_axis_name="c", subcore_axis_name="s")
  return pl.kernel(
      _sc_body,
      out_type=jax.ShapeDtypeStruct((_SEQ, 8, _BT, 8, 128), jnp.float32),
      mesh=mesh,
      scratch_types=[
          pltpu.VMEM((_PT, 8, 128), jnp.int32),
          pltpu.VMEM((_SEQ, _EMBED), jnp.float32),
          pltpu.VMEM((_NG, 128, _EMBED), jnp.float32),
          pltpu.VMEM((_NT, 8, 8, _TP), jnp.float32),
          pltpu.SemaphoreType.DMA,
          pltpu.SemaphoreType.DMA,
      ],
      compiler_params=pltpu.CompilerParams(
          use_tc_tiling_on_sc=False, needs_layout_passes=False),
  )(x4, pe, table2)


def kernel(x, table, pe):
  x4 = ((x.astype(jnp.int32) * 2).T
        .reshape(_PT, 8, _BT, 128).transpose(0, 2, 1, 3))
  table2 = jnp.pad(table, ((0, 0), (0, 64))).reshape(2 * 1000000, _EMBED)
  out5 = _pe_lookup(x4, table2, pe)
  return out5.transpose(2, 4, 0, 1, 3).reshape(_BATCH, _SEQ, _EMBED)

# --- scband reference (transcript-rebuilt; emitter-appended) ---
"""Pipeline reference for scband-positional-embedding-40664750359197 (READ-ONLY COPY).

The authoritative reference and input builder live on the scoring server;
editing this copy changes nothing except your own understanding.
"""

import jax, jax.numpy as jnp
import numpy as np

VOCAB = 1000000
EMBED = 64
SEQ = 200
BATCH = 4096


def make_pe(seq_len, dim):
    position = np.arange(seq_len, dtype=np.float32)[:, None]
    div_term = np.exp(np.arange(0, dim, 2, dtype=np.float32) * (-np.log(10000.0) / dim))
    pe = np.zeros((seq_len, dim), dtype=np.float32)
    pe[:, 0::2] = np.sin(position * div_term)
    pe[:, 1::2] = np.cos(position * div_term)
    return jnp.asarray(pe)


def setup_inputs(seed: int = 0) -> dict:
    key = jax.random.key(seed)
    k_x, k_tab = jax.random.split(key)
    x = jax.random.randint(k_x, (BATCH, SEQ), 0, VOCAB, dtype=jnp.int64)
    # learned token embedding table (nn.Embedding default init ~ N(0,1))
    table = jax.random.normal(k_tab, (VOCAB, EMBED), dtype=jnp.float32)
    pe = make_pe(SEQ, EMBED)
    return {"x": x, "table": table, "pe": pe}


def reference(x, table, pe):
    # token embedding lookup (gather)
    token_emb = jnp.take(table, x, axis=0)  # [B, S, D]
    seq_length = x.shape[1]
    pos_emb = pe[None, :seq_length, :]  # [1, S, D], broadcasts over batch
    return token_emb + pos_emb

if __name__ == "__main__":
    import jax
    _d = setup_inputs()
    print(jax.jit(kernel)(*tuple(_d.values())))

</pallas_src>

<mosaic_0001>
#map = affine_map<(d0, d1) -> (0, 0, 0, 0)>
#map1 = affine_map<(d0, d1) -> (0, 0)>
#map2 = affine_map<(d0, d1) -> (0, 0, 0, 0, 0)>
module attributes {stable_mosaic.version = 14 : i64} {
  func.func @_sc_body(%arg0: i32, %arg1: i32, %arg2: memref<25x32x8x128xi32, #tpu.memory_space<hbm>>, %arg3: memref<200x64xf32, #tpu.memory_space<hbm>>, %arg4: memref<2000000x64xf32, #tpu.memory_space<hbm>>, %arg5: memref<200x8x32x8x128xf32, #tpu.memory_space<hbm>>, %arg6: memref<25x8x128xi32, #tpu.memory_space<vmem>>, %arg7: memref<200x64xf32, #tpu.memory_space<vmem>>, %arg8: memref<7x128x64xf32, #tpu.memory_space<vmem>>, %arg9: memref<3x8x8x133xf32, #tpu.memory_space<vmem>>, %arg10: memref<!tpu.dma_semaphore, #tpu.memory_space<semaphore_mem>>, %arg11: memref<!tpu.dma_semaphore, #tpu.memory_space<semaphore_mem>>) attributes {dimension_semantics = [#tpu.dimension_semantics<core_parallel>, #tpu.dimension_semantics<subcore_parallel>], iteration_bounds = array<i64: 2, 16>, scalar_prefetch = 0 : i64, scratch_operands = 6 : i64, tpu.core_type = #tpu.core_type<sc_vector_subcore>, window_params = [{transform_indices = #map}, {transform_indices = #map1}, {transform_indices = #map1}, {transform_indices = #map2}]} {
    %mul3A = arith.constant 2 : i32
    %mul3A_0 = arith.muli %arg1, %mul3A : i32
    %add3A = arith.addi %mul3A_0, %arg0 : i32
    "tpu.region"() ({
      %run_scoped3A = tpu.sem_alloc : memref<!tpu.dma_semaphore, #tpu.memory_space<semaphore_mem>>
      %dma_start3A_311 = arith.constant 0 : i32
      %dma_start3A_312 = arith.constant 0 : i32
      %dma_start3A_313 = arith.constant 0 : i32
      %dma_start3A_314 = tpu.memref_slice %arg2[%dma_start3A_311, %add3A, %dma_start3A_312, %dma_start3A_313] : memref<25x32x8x128xi32, #tpu.memory_space<hbm>> -> memref<25x1x8x128xi32, #tpu.memory_space<hbm>>
      %dma_start3A_315 = tpu.memref_squeeze %dma_start3A_314 : memref<25x1x8x128xi32, #tpu.memory_space<hbm>> -> memref<25x8x128xi32, #tpu.memory_space<hbm>>
      %dma_start3A_316 = arith.constant 0 : i32
      %dma_start3A_317 = arith.constant 0 : i32
      %dma_start3A_318 = arith.constant 0 : i32
      %dma_start3A_319 = tpu.memref_slice %arg2[%dma_start3A_316, %add3A, %dma_start3A_317, %dma_start3A_318] : memref<25x32x8x128xi32, #tpu.memory_space<hbm>> -> memref<25x1x8x128xi32, #tpu.memory_space<hbm>>
      %dma_start3A_320 = tpu.memref_squeeze %dma_start3A_319 : memref<25x1x8x128xi32, #tpu.memory_space<hbm>> -> memref<25x8x128xi32, #tpu.memory_space<hbm>>
      tpu.enqueue_dma source(%dma_start3A_320 : memref<25x8x128xi32, #tpu.memory_space<hbm>>) target(%arg6 : memref<25x8x128xi32, #tpu.memory_space<vmem>>) target_semaphore(%run_scoped3A : memref<!tpu.dma_semaphore, #tpu.memory_space<semaphore_mem>>)
      %dma_wait3A_321 = arith.constant 0 : i32
      %dma_wait3A_322 = arith.constant 0 : i32
      %dma_wait3A_323 = arith.constant 0 : i32
      %dma_wait3A_324 = tpu.memref_slice %arg2[%dma_wait3A_321, %add3A, %dma_wait3A_322, %dma_wait3A_323] : memref<25x32x8x128xi32, #tpu.memory_space<hbm>> -> memref<25x1x8x128xi32, #tpu.memory_space<hbm>>
      %dma_wait3A_325 = tpu.memref_squeeze %dma_wait3A_324 : memref<25x1x8x128xi32, #tpu.memory_space<hbm>> -> memref<25x8x128xi32, #tpu.memory_space<hbm>>
      %dma_wait3A_326 = arith.constant 0 : i32
      %dma_wait3A_327 = arith.constant 0 : i32
      %dma_wait3A_328 = arith.constant 0 : i32
      %dma_wait3A_329 = tpu.memref_slice %arg2[%dma_wait3A_326, %add3A, %dma_wait3A_327, %dma_wait3A_328] : memref<25x32x8x128xi32, #tpu.memory_space<hbm>> -> memref<25x1x8x128xi32, #tpu.memory_space<hbm>>
      %dma_wait3A_330 = tpu.memref_squeeze %dma_wait3A_329 : memref<25x1x8x128xi32, #tpu.memory_space<hbm>> -> memref<25x8x128xi32, #tpu.memory_space<hbm>>
      tpu.wait_dma2 semaphore(%run_scoped3A : memref<!tpu.dma_semaphore, #tpu.memory_space<semaphore_mem>>) src(%dma_wait3A_330 : memref<25x8x128xi32, #tpu.memory_space<hbm>>) dst(%arg6 : memref<25x8x128xi32, #tpu.memory_space<vmem>>)
      tpu.yield
    }) : () -> ()
    "tpu.region"() ({
      %run_scoped3A = tpu.sem_alloc : memref<!tpu.dma_semaphore, #tpu.memory_space<semaphore_mem>>
      tpu.enqueue_dma source(%arg3 : memref<200x64xf32, #tpu.memory_space<hbm>>) target(%arg7 : memref<200x64xf32, #tpu.memory_space<vmem>>) target_semaphore(%run_scoped3A : memref<!tpu.dma_semaphore, #tpu.memory_space<semaphore_mem>>)
      tpu.wait_dma2 semaphore(%run_scoped3A : memref<!tpu.dma_semaphore, #tpu.memory_space<semaphore_mem>>) src(%arg3 : memref<200x64xf32, #tpu.memory_space<hbm>>) dst(%arg7 : memref<200x64xf32, #tpu.memory_space<vmem>>)
      tpu.yield
    }) : () -> ()
    %iota3A = tpu.iota {dimensions = array<i32: 0>} : vector<16xi32>
    %add3A_1 = arith.constant 0 : i32
    %add3A_2 = vector.broadcast %add3A_1 : i32 to vector<16xi32>
    %add3A_3 = arith.addi %add3A_2, %iota3A : vector<16xi32>
    %jit3A = arith.constant 8 : i32
    %div3A = vector.broadcast %jit3A : i32 to vector<16xi32>
    %div3A_4 = arith.divsi %add3A_3, %div3A : vector<16xi32>
    %sign3A = arith.constant 0 : i32
    %sign3A_5 = vector.broadcast %sign3A : i32 to vector<16xi32>
    %sign3A_6 = arith.cmpi sgt, %add3A_3, %sign3A_5 : vector<16xi32>
    %sign3A_7 = arith.extui %sign3A_6 : vector<16xi1> to vector<16xi32>
    %sign3A_8 = arith.constant 0 : i32
    %sign3A_9 = vector.broadcast %sign3A_8 : i32 to vector<16xi32>
    %sign3A_10 = arith.cmpi slt, %add3A_3, %sign3A_9 : vector<16xi32>
    %sign3A_11 = arith.extui %sign3A_10 : vector<16xi1> to vector<16xi32>
    %sign3A_12 = arith.subi %sign3A_7, %sign3A_11 : vector<16xi32>
    %sign3A_13 = arith.constant 0 : i32
    %sign3A_14 = arith.cmpi sgt, %jit3A, %sign3A_13 : i32
    %sign3A_15 = arith.extui %sign3A_14 : i1 to i32
    %sign3A_16 = arith.constant 0 : i32
    %sign3A_17 = arith.cmpi slt, %jit3A, %sign3A_16 : i32
    %sign3A_18 = arith.extui %sign3A_17 : i1 to i32
    %sign3A_19 = arith.subi %sign3A_15, %sign3A_18 : i32
    %ne3A = vector.broadcast %sign3A_19 : i32 to vector<16xi32>
    %ne3A_20 = arith.cmpi ne, %sign3A_12, %ne3A : vector<16xi32>
    %rem3A = vector.broadcast %jit3A : i32 to vector<16xi32>
    %rem3A_21 = arith.remsi %add3A_3, %rem3A : vector<16xi32>
    %ne3A_22 = arith.constant 0 : i32
    %ne3A_23 = vector.broadcast %ne3A_22 : i32 to vector<16xi32>
    %ne3A_24 = arith.cmpi ne, %rem3A_21, %ne3A_23 : vector<16xi32>
    %and3A = arith.andi %ne3A_20, %ne3A_24 : vector<16xi1>
    %sub3A = arith.constant 1 : i32
    %sub3A_25 = vector.broadcast %sub3A : i32 to vector<16xi32>
    %sub3A_26 = arith.subi %div3A_4, %sub3A_25 : vector<16xi32>
    %select_n3A = arith.select %and3A, %sub3A_26, %div3A_4 : vector<16xi1>, vector<16xi32>
    %add3A_27 = arith.constant 16 : i32
    %add3A_28 = vector.broadcast %add3A_27 : i32 to vector<16xi32>
    %add3A_29 = arith.addi %add3A_28, %iota3A : vector<16xi32>
    %jit3A_30 = arith.constant 8 : i32
    %div3A_31 = vector.broadcast %jit3A_30 : i32 to vector<16xi32>
    %div3A_32 = arith.divsi %add3A_29, %div3A_31 : vector<16xi32>
    %sign3A_33 = arith.constant 0 : i32
    %sign3A_34 = vector.broadcast %sign3A_33 : i32 to vector<16xi32>
    %sign3A_35 = arith.cmpi sgt, %add3A_29, %sign3A_34 : vector<16xi32>
    %sign3A_36 = arith.extui %sign3A_35 : vector<16xi1> to vector<16xi32>
    %sign3A_37 = arith.constant 0 : i32
    %sign3A_38 = vector.broadcast %sign3A_37 : i32 to vector<16xi32>
    %sign3A_39 = arith.cmpi slt, %add3A_29, %sign3A_38 : vector<16xi32>
    %sign3A_40 = arith.extui %sign3A_39 : vector<16xi1> to vector<16xi32>
    %sign3A_41 = arith.subi %sign3A_36, %sign3A_40 : vector<16xi32>
    %sign3A_42 = arith.constant 0 : i32
    %sign3A_43 = arith.cmpi sgt, %jit3A_30, %sign3A_42 : i32
    %sign3A_44 = arith.extui %sign3A_43 : i1 to i32
    %sign3A_45 = arith.constant 0 : i32
    %sign3A_46 = arith.cmpi slt, %jit3A_30, %sign3A_45 : i32
    %sign3A_47 = arith.extui %sign3A_46 : i1 to i32
    %sign3A_48 = arith.subi %sign3A_44, %sign3A_47 : i32
    %ne3A_49 = vector.broadcast %sign3A_48 : i32 to vector<16xi32>
    %ne3A_50 = arith.cmpi ne, %sign3A_41, %ne3A_49 : vector<16xi32>
    %rem3A_51 = vector.broadcast %jit3A_30 : i32 to vector<16xi32>
    %rem3A_52 = arith.remsi %add3A_29, %rem3A_51 : vector<16xi32>
    %ne3A_53 = arith.constant 0 : i32
    %ne3A_54 = vector.broadcast %ne3A_53 : i32 to vector<16xi32>
    %ne3A_55 = arith.cmpi ne, %rem3A_52, %ne3A_54 : vector<16xi32>
    %and3A_56 = arith.andi %ne3A_50, %ne3A_55 : vector<16xi1>
    %sub3A_57 = arith.constant 1 : i32
    %sub3A_58 = vector.broadcast %sub3A_57 : i32 to vector<16xi32>
    %sub3A_59 = arith.subi %div3A_32, %sub3A_58 : vector<16xi32>
    %select_n3A_60 = arith.select %and3A_56, %sub3A_59, %div3A_32 : vector<16xi1>, vector<16xi32>
    %add3A_61 = arith.constant 32 : i32
    %add3A_62 = vector.broadcast %add3A_61 : i32 to vector<16xi32>
    %add3A_63 = arith.addi %add3A_62, %iota3A : vector<16xi32>
    %jit3A_64 = arith.constant 8 : i32
    %div3A_65 = vector.broadcast %jit3A_64 : i32 to vector<16xi32>
    %div3A_66 = arith.divsi %add3A_63, %div3A_65 : vector<16xi32>
    %sign3A_67 = arith.constant 0 : i32
    %sign3A_68 = vector.broadcast %sign3A_67 : i32 to vector<16xi32>
    %sign3A_69 = arith.cmpi sgt, %add3A_63, %sign3A_68 : vector<16xi32>
    %sign3A_70 = arith.extui %sign3A_69 : vector<16xi1> to vector<16xi32>
    %sign3A_71 = arith.constant 0 : i32
    %sign3A_72 = vector.broadcast %sign3A_71 : i32 to vector<16xi32>
    %sign3A_73 = arith.cmpi slt, %add3A_63, %sign3A_72 : vector<16xi32>
    %sign3A_74 = arith.extui %sign3A_73 : vector<16xi1> to vector<16xi32>
    %sign3A_75 = arith.subi %sign3A_70, %sign3A_74 : vector<16xi32>
    %sign3A_76 = arith.constant 0 : i32
    %sign3A_77 = arith.cmpi sgt, %jit3A_64, %sign3A_76 : i32
    %sign3A_78 = arith.extui %sign3A_77 : i1 to i32
    %sign3A_79 = arith.constant 0 : i32
    %sign3A_80 = arith.cmpi slt, %jit3A_64, %sign3A_79 : i32
    %sign3A_81 = arith.extui %sign3A_80 : i1 to i32
    %sign3A_82 = arith.subi %sign3A_78, %sign3A_81 : i32
    %ne3A_83 = vector.broadcast %sign3A_82 : i32 to vector<16xi32>
    %ne3A_84 = arith.cmpi ne, %sign3A_75, %ne3A_83 : vector<16xi32>
    %rem3A_85 = vector.broadcast %jit3A_64 : i32 to vector<16xi32>
    %rem3A_86 = arith.remsi %add3A_63, %rem3A_85 : vector<16xi32>
    %ne3A_87 = arith.constant 0 : i32
    %ne3A_88 = vector.broadcast %ne3A_87 : i32 to vector<16xi32>
    %ne3A_89 = arith.cmpi ne, %rem3A_86, %ne3A_88 : vector<16xi32>
    %and3A_90 = arith.andi %ne3A_84, %ne3A_89 : vector<16xi1>
    %sub3A_91 = arith.constant 1 : i32
    %sub3A_92 = vector.broadcast %sub3A_91 : i32 to vector<16xi32>
    %sub3A_93 = arith.subi %div3A_66, %sub3A_92 : vector<16xi32>
    %select_n3A_94 = arith.select %and3A_90, %sub3A_93, %div3A_66 : vector<16xi1>, vector<16xi32>
    %add3A_95 = arith.constant 48 : i32
    %add3A_96 = vector.broadcast %add3A_95 : i32 to vector<16xi32>
    %add3A_97 = arith.addi %add3A_96, %iota3A : vector<16xi32>
    %jit3A_98 = arith.constant 8 : i32
    %div3A_99 = vector.broadcast %jit3A_98 : i32 to vector<16xi32>
    %div3A_100 = arith.divsi %add3A_97, %div3A_99 : vector<16xi32>
    %sign3A_101 = arith.constant 0 : i32
    %sign3A_102 = vector.broadcast %sign3A_101 : i32 to vector<16xi32>
    %sign3A_103 = arith.cmpi sgt, %add3A_97, %sign3A_102 : vector<16xi32>
    %sign3A_104 = arith.extui %sign3A_103 : vector<16xi1> to vector<16xi32>
    %sign3A_105 = arith.constant 0 : i32
    %sign3A_106 = vector.broadcast %sign3A_105 : i32 to vector<16xi32>
    %sign3A_107 = arith.cmpi slt, %add3A_97, %sign3A_106 : vector<16xi32>
    %sign3A_108 = arith.extui %sign3A_107 : vector<16xi1> to vector<16xi32>
    %sign3A_109 = arith.subi %sign3A_104, %sign3A_108 : vector<16xi32>
    %sign3A_110 = arith.constant 0 : i32
    %sign3A_111 = arith.cmpi sgt, %jit3A_98, %sign3A_110 : i32
    %sign3A_112 = arith.extui %sign3A_111 : i1 to i32
    %sign3A_113 = arith.constant 0 : i32
    %sign3A_114 = arith.cmpi slt, %jit3A_98, %sign3A_113 : i32
    %sign3A_115 = arith.extui %sign3A_114 : i1 to i32
    %sign3A_116 = arith.subi %sign3A_112, %sign3A_115 : i32
    %ne3A_117 = vector.broadcast %sign3A_116 : i32 to vector<16xi32>
    %ne3A_118 = arith.cmpi ne, %sign3A_109, %ne3A_117 : vector<16xi32>
    %rem3A_119 = vector.broadcast %jit3A_98 : i32 to vector<16xi32>
    %rem3A_120 = arith.remsi %add3A_97, %rem3A_119 : vector<16xi32>
    %ne3A_121 = arith.constant 0 : i32
    %ne3A_122 = vector.broadcast %ne3A_121 : i32 to vector<16xi32>
    %ne3A_123 = arith.cmpi ne, %rem3A_120, %ne3A_122 : vector<16xi32>
    %and3A_124 = arith.andi %ne3A_118, %ne3A_123 : vector<16xi1>
    %sub3A_125 = arith.constant 1 : i32
    %sub3A_126 = vector.broadcast %sub3A_125 : i32 to vector<16xi32>
    %sub3A_127 = arith.subi %div3A_100, %sub3A_126 : vector<16xi32>
    %select_n3A_128 = arith.select %and3A_124, %sub3A_127, %div3A_100 : vector<16xi1>, vector<16xi32>
    %add3A_129 = arith.constant 0 : i32
    %add3A_130 = vector.broadcast %add3A_129 : i32 to vector<16xi32>
    %add3A_131 = arith.addi %add3A_130, %iota3A : vector<16xi32>
    %rem3A_132 = arith.constant 8 : i32
    %rem3A_133 = vector.broadcast %rem3A_132 : i32 to vector<16xi32>
    %rem3A_134 = arith.remsi %add3A_131, %rem3A_133 : vector<16xi32>
    %add3A_135 = arith.constant 16 : i32
    %add3A_136 = vector.broadcast %add3A_135 : i32 to vector<16xi32>
    %add3A_137 = arith.addi %add3A_136, %iota3A : vector<16xi32>
    %rem3A_138 = arith.constant 8 : i32
    %rem3A_139 = vector.broadcast %rem3A_138 : i32 to vector<16xi32>
    %rem3A_140 = arith.remsi %add3A_137, %rem3A_139 : vector<16xi32>
    %add3A_141 = arith.constant 32 : i32
    %add3A_142 = vector.broadcast %add3A_141 : i32 to vector<16xi32>
    %add3A_143 = arith.addi %add3A_142, %iota3A : vector<16xi32>
    %rem3A_144 = arith.constant 8 : i32
    %rem3A_145 = vector.broadcast %rem3A_144 : i32 to vector<16xi32>
    %rem3A_146 = arith.remsi %add3A_143, %rem3A_145 : vector<16xi32>
    %add3A_147 = arith.constant 48 : i32
    %add3A_148 = vector.broadcast %add3A_147 : i32 to vector<16xi32>
    %add3A_149 = arith.addi %add3A_148, %iota3A : vector<16xi32>
    %rem3A_150 = arith.constant 8 : i32
    %rem3A_151 = vector.broadcast %rem3A_150 : i32 to vector<16xi32>
    %rem3A_152 = arith.remsi %add3A_149, %rem3A_151 : vector<16xi32>
    %rem3A_153 = arith.constant 0 : i32
    %rem3A_154 = arith.constant 8 : i32
    %rem3A_155 = arith.remsi %rem3A_153, %rem3A_154 : i32
    %rem3A_156 = arith.constant 0 : i32
    %rem3A_157 = arith.constant 7 : i32
    %rem3A_158 = arith.remsi %rem3A_156, %rem3A_157 : i32
    %dma_start3A = arith.constant 0 : i32
    %dma_start3A_159 = arith.constant 0 : i32
    %dma_start3A_160 = arith.constant 0 : i32
    %dma_start3A_161 = tpu.memref_slice %arg8[%rem3A_158, %dma_start3A_159, %dma_start3A_160] : memref<7x128x64xf32, #tpu.memory_space<vmem>> -> memref<1x128x64xf32, #tpu.memory_space<vmem>>
    %dma_start3A_162 = tpu.memref_squeeze %dma_start3A_161 : memref<1x128x64xf32, #tpu.memory_space<vmem>> -> memref<128x64xf32, #tpu.memory_space<vmem>>
    %dma_start3A_163 = arith.constant 0 : i32
    %dma_start3A_164 = tpu.memref_slice %arg6[%dma_start3A, %rem3A_155, %dma_start3A_163] : memref<25x8x128xi32, #tpu.memory_space<vmem>> -> memref<1x1x128xi32, #tpu.memory_space<vmem>>
    %dma_start3A_165 = tpu.memref_squeeze %dma_start3A_164 : memref<1x1x128xi32, #tpu.memory_space<vmem>> -> memref<128xi32, #tpu.memory_space<vmem>>
    %dma_start3A_166 = arith.constant 0 : i32
    %dma_start3A_167 = arith.constant 0 : i32
    %dma_start3A_168 = tpu.memref_slice %arg4[%dma_start3A_166, %dma_start3A_167] : memref<2000000x64xf32, #tpu.memory_space<hbm>> -> memref<2000000x64xf32, #tpu.memory_space<hbm>>
    tpu.enqueue_indirect_dma source(%dma_start3A_168 : memref<2000000x64xf32, #tpu.memory_space<hbm>>) target(%dma_start3A_162 : memref<128x64xf32, #tpu.memory_space<vmem>>) offsets(%dma_start3A_165 : memref<128xi32, #tpu.memory_space<vmem>>) semaphore(%arg10 : memref<!tpu.dma_semaphore, #tpu.memory_space<semaphore_mem>>)
    %rem3A_169 = arith.constant 1 : i32
    %rem3A_170 = arith.constant 8 : i32
    %rem3A_171 = arith.remsi %rem3A_169, %rem3A_170 : i32
    %rem3A_172 = arith.constant 1 : i32
    %rem3A_173 = arith.constant 7 : i32
    %rem3A_174 = arith.remsi %rem3A_172, %rem3A_173 : i32
    %dma_start3A_175 = arith.constant 0 : i32
    %dma_start3A_176 = arith.constant 0 : i32
    %dma_start3A_177 = arith.constant 0 : i32
    %dma_start3A_178 = tpu.memref_slice %arg8[%rem3A_174, %dma_start3A_176, %dma_start3A_177] : memref<7x128x64xf32, #tpu.memory_space<vmem>> -> memref<1x128x64xf32, #tpu.memory_space<vmem>>
    %dma_start3A_179 = tpu.memref_squeeze %dma_start3A_178 : memref<1x128x64xf32, #tpu.memory_space<vmem>> -> memref<128x64xf32, #tpu.memory_space<vmem>>
    %dma_start3A_180 = arith.constant 0 : i32
    %dma_start3A_181 = tpu.memref_slice %arg6[%dma_start3A_175, %rem3A_171, %dma_start3A_180] : memref<25x8x128xi32, #tpu.memory_space<vmem>> -> memref<1x1x128xi32, #tpu.memory_space<vmem>>
    %dma_start3A_182 = tpu.memref_squeeze %dma_start3A_181 : memref<1x1x128xi32, #tpu.memory_space<vmem>> -> memref<128xi32, #tpu.memory_space<vmem>>
    %dma_start3A_183 = arith.constant 0 : i32
    %dma_start3A_184 = arith.constant 0 : i32
    %dma_start3A_185 = tpu.memref_slice %arg4[%dma_start3A_183, %dma_start3A_184] : memref<2000000x64xf32, #tpu.memory_space<hbm>> -> memref<2000000x64xf32, #tpu.memory_space<hbm>>
    tpu.enqueue_indirect_dma source(%dma_start3A_185 : memref<2000000x64xf32, #tpu.memory_space<hbm>>) target(%dma_start3A_179 : memref<128x64xf32, #tpu.memory_space<vmem>>) offsets(%dma_start3A_182 : memref<128xi32, #tpu.memory_space<vmem>>) semaphore(%arg10 : memref<!tpu.dma_semaphore, #tpu.memory_space<semaphore_mem>>)
    %rem3A_186 = arith.constant 2 : i32
    %rem3A_187 = arith.constant 8 : i32
    %rem3A_188 = arith.remsi %rem3A_186, %rem3A_187 : i32
    %rem3A_189 = arith.constant 2 : i32
    %rem3A_190 = arith.constant 7 : i32
    %rem3A_191 = arith.remsi %rem3A_189, %rem3A_190 : i32
    %dma_start3A_192 = arith.constant 0 : i32
    %dma_start3A_193 = arith.constant 0 : i32
    %dma_start3A_194 = arith.constant 0 : i32
    %dma_start3A_195 = tpu.memref_slice %arg8[%rem3A_191, %dma_start3A_193, %dma_start3A_194] : memref<7x128x64xf32, #tpu.memory_space<vmem>> -> memref<1x128x64xf32, #tpu.memory_space<vmem>>
    %dma_start3A_196 = tpu.memref_squeeze %dma_start3A_195 : memref<1x128x64xf32, #tpu.memory_space<vmem>> -> memref<128x64xf32, #tpu.memory_space<vmem>>
    %dma_start3A_197 = arith.constant 0 : i32
    %dma_start3A_198 = tpu.memref_slice %arg6[%dma_start3A_192, %rem3A_188, %dma_start3A_197] : memref<25x8x128xi32, #tpu.memory_space<vmem>> -> memref<1x1x128xi32, #tpu.memory_space<vmem>>
    %dma_start3A_199 = tpu.memref_squeeze %dma_start3A_198 : memref<1x1x128xi32, #tpu.memory_space<vmem>> -> memref<128xi32, #tpu.memory_space<vmem>>
    %dma_start3A_200 = arith.constant 0 : i32
    %dma_start3A_201 = arith.constant 0 : i32
    %dma_start3A_202 = tpu.memref_slice %arg4[%dma_start3A_200, %dma_start3A_201] : memref<2000000x64xf32, #tpu.memory_space<hbm>> -> memref<2000000x64xf32, #tpu.memory_space<hbm>>
    tpu.enqueue_indirect_dma source(%dma_start3A_202 : memref<2000000x64xf32, #tpu.memory_space<hbm>>) target(%dma_start3A_196 : memref<128x64xf32, #tpu.memory_space<vmem>>) offsets(%dma_start3A_199 : memref<128xi32, #tpu.memory_space<vmem>>) semaphore(%arg10 : memref<!tpu.dma_semaphore, #tpu.memory_space<semaphore_mem>>)
    %rem3A_203 = arith.constant 3 : i32
    %rem3A_204 = arith.constant 8 : i32
    %rem3A_205 = arith.remsi %rem3A_203, %rem3A_204 : i32
    %rem3A_206 = arith.constant 3 : i32
    %rem3A_207 = arith.constant 7 : i32
    %rem3A_208 = arith.remsi %rem3A_206, %rem3A_207 : i32
    %dma_start3A_209 = arith.constant 0 : i32
    %dma_start3A_210 = arith.constant 0 : i32
    %dma_start3A_211 = arith.constant 0 : i32
    %dma_start3A_212 = tpu.memref_slice %arg8[%rem3A_208, %dma_start3A_210, %dma_start3A_211] : memref<7x128x64xf32, #tpu.memory_space<vmem>> -> memref<1x128x64xf32, #tpu.memory_space<vmem>>
    %dma_start3A_213 = tpu.memref_squeeze %dma_start3A_212 : memref<1x128x64xf32, #tpu.memory_space<vmem>> -> memref<128x64xf32, #tpu.memory_space<vmem>>
    %dma_start3A_214 = arith.constant 0 : i32
    %dma_start3A_215 = tpu.memref_slice %arg6[%dma_start3A_209, %rem3A_205, %dma_start3A_214] : memref<25x8x128xi32, #tpu.memory_space<vmem>> -> memref<1x1x128xi32, #tpu.memory_space<vmem>>
    %dma_start3A_216 = tpu.memref_squeeze %dma_start3A_215 : memref<1x1x128xi32, #tpu.memory_space<vmem>> -> memref<128xi32, #tpu.memory_space<vmem>>
    %dma_start3A_217 = arith.constant 0 : i32
    %dma_start3A_218 = arith.constant 0 : i32
    %dma_start3A_219 = tpu.memref_slice %arg4[%dma_start3A_217, %dma_start3A_218] : memref<2000000x64xf32, #tpu.memory_space<hbm>> -> memref<2000000x64xf32, #tpu.memory_space<hbm>>
    tpu.enqueue_indirect_dma source(%dma_start3A_219 : memref<2000000x64xf32, #tpu.memory_space<hbm>>) target(%dma_start3A_213 : memref<128x64xf32, #tpu.memory_space<vmem>>) offsets(%dma_start3A_216 : memref<128xi32, #tpu.memory_space<vmem>>) semaphore(%arg10 : memref<!tpu.dma_semaphore, #tpu.memory_space<semaphore_mem>>)
    %rem3A_220 = arith.constant 4 : i32
    %rem3A_221 = arith.constant 8 : i32
    %rem3A_222 = arith.remsi %rem3A_220, %rem3A_221 : i32
    %rem3A_223 = arith.constant 4 : i32
    %rem3A_224 = arith.constant 7 : i32
    %rem3A_225 = arith.remsi %rem3A_223, %rem3A_224 : i32
    %dma_start3A_226 = arith.constant 0 : i32
    %dma_start3A_227 = arith.constant 0 : i32
    %dma_start3A_228 = arith.constant 0 : i32
    %dma_start3A_229 = tpu.memref_slice %arg8[%rem3A_225, %dma_start3A_227, %dma_start3A_228] : memref<7x128x64xf32, #tpu.memory_space<vmem>> -> memref<1x128x64xf32, #tpu.memory_space<vmem>>
    %dma_start3A_230 = tpu.memref_squeeze %dma_start3A_229 : memref<1x128x64xf32, #tpu.memory_space<vmem>> -> memref<128x64xf32, #tpu.memory_space<vmem>>
    %dma_start3A_231 = arith.constant 0 : i32
    %dma_start3A_232 = tpu.memref_slice %arg6[%dma_start3A_226, %rem3A_222, %dma_start3A_231] : memref<25x8x128xi32, #tpu.memory_space<vmem>> -> memref<1x1x128xi32, #tpu.memory_space<vmem>>
    %dma_start3A_233 = tpu.memref_squeeze %dma_start3A_232 : memref<1x1x128xi32, #tpu.memory_space<vmem>> -> memref<128xi32, #tpu.memory_space<vmem>>
    %dma_start3A_234 = arith.constant 0 : i32
    %dma_start3A_235 = arith.constant 0 : i32
    %dma_start3A_236 = tpu.memref_slice %arg4[%dma_start3A_234, %dma_start3A_235] : memref<2000000x64xf32, #tpu.memory_space<hbm>> -> memref<2000000x64xf32, #tpu.memory_space<hbm>>
    tpu.enqueue_indirect_dma source(%dma_start3A_236 : memref<2000000x64xf32, #tpu.memory_space<hbm>>) target(%dma_start3A_230 : memref<128x64xf32, #tpu.memory_space<vmem>>) offsets(%dma_start3A_233 : memref<128xi32, #tpu.memory_space<vmem>>) semaphore(%arg10 : memref<!tpu.dma_semaphore, #tpu.memory_space<semaphore_mem>>)
    %scan3A = arith.constant 0 : i32
    %scan3A_237 = arith.constant 0 : i32
    %scan3A_238 = arith.constant 200 : i32
    %scan3A_239 = arith.addi %scan3A_237, %scan3A_238 : i32
    %scan3A_240 = arith.constant 1 : i32
    %scan3A_241 = scf.for %scan3A_311 = %scan3A_237 to %scan3A_239 step %scan3A_240 iter_args(%scan3A_312 = %scan3A) -> (i32)  : i32 {
      %add3A_313 = arith.constant 5 : i32
      %add3A_314 = arith.addi %scan3A_311, %add3A_313 : i32
      %lt3A = arith.constant 200 : i32
      %lt3A_315 = arith.cmpi slt, %add3A_314, %lt3A : i32
      %convert_element_type3A = arith.extui %lt3A_315 : i1 to i32
      %cond3A = arith.constant 0 : i32
      %cond3A_316 = arith.cmpi ne, %convert_element_type3A, %cond3A : i32
      scf.if %cond3A_316 {
        %add3A_399 = arith.constant 5 : i32
        %add3A_400 = arith.addi %scan3A_311, %add3A_399 : i32
        %jit3A_401 = arith.constant 8 : i32
        %div3A_402 = arith.divsi %add3A_400, %jit3A_401 : i32
        %sign3A_403 = arith.constant 0 : i32
        %sign3A_404 = arith.cmpi sgt, %add3A_400, %sign3A_403 : i32
        %sign3A_405 = arith.extui %sign3A_404 : i1 to i32
        %sign3A_406 = arith.constant 0 : i32
        %sign3A_407 = arith.cmpi slt, %add3A_400, %sign3A_406 : i32
        %sign3A_408 = arith.extui %sign3A_407 : i1 to i32
        %sign3A_409 = arith.subi %sign3A_405, %sign3A_408 : i32
        %sign3A_410 = arith.constant 0 : i32
        %sign3A_411 = arith.cmpi sgt, %jit3A_401, %sign3A_410 : i32
        %sign3A_412 = arith.extui %sign3A_411 : i1 to i32
        %sign3A_413 = arith.constant 0 : i32
        %sign3A_414 = arith.cmpi slt, %jit3A_401, %sign3A_413 : i32
        %sign3A_415 = arith.extui %sign3A_414 : i1 to i32
        %sign3A_416 = arith.subi %sign3A_412, %sign3A_415 : i32
        %ne3A_417 = arith.cmpi ne, %sign3A_409, %sign3A_416 : i32
        %rem3A_418 = arith.remsi %add3A_400, %jit3A_401 : i32
        %ne3A_419 = arith.constant 0 : i32
        %ne3A_420 = arith.cmpi ne, %rem3A_418, %ne3A_419 : i32
        %and3A_421 = arith.andi %ne3A_417, %ne3A_420 : i1
        %sub3A_422 = arith.constant 1 : i32
        %sub3A_423 = arith.subi %div3A_402, %sub3A_422 : i32
        %select_n3A_424 = arith.select %and3A_421, %sub3A_423, %div3A_402 : i32
        %rem3A_425 = arith.constant 8 : i32
        %rem3A_426 = arith.remsi %add3A_400, %rem3A_425 : i32
        %rem3A_427 = arith.constant 7 : i32
        %rem3A_428 = arith.remsi %add3A_400, %rem3A_427 : i32
        %dma_start3A_429 = arith.constant 0 : i32
        %dma_start3A_430 = arith.constant 0 : i32
        %dma_start3A_431 = tpu.memref_slice %arg8[%rem3A_428, %dma_start3A_429, %dma_start3A_430] : memref<7x128x64xf32, #tpu.memory_space<vmem>> -> memref<1x128x64xf32, #tpu.memory_space<vmem>>
        %dma_start3A_432 = tpu.memref_squeeze %dma_start3A_431 : memref<1x128x64xf32, #tpu.memory_space<vmem>> -> memref<128x64xf32, #tpu.memory_space<vmem>>
        %dma_start3A_433 = arith.constant 0 : i32
        %dma_start3A_434 = tpu.memref_slice %arg6[%select_n3A_424, %rem3A_426, %dma_start3A_433] : memref<25x8x128xi32, #tpu.memory_space<vmem>> -> memref<1x1x128xi32, #tpu.memory_space<vmem>>
        %dma_start3A_435 = tpu.memref_squeeze %dma_start3A_434 : memref<1x1x128xi32, #tpu.memory_space<vmem>> -> memref<128xi32, #tpu.memory_space<vmem>>
        %dma_start3A_436 = arith.constant 0 : i32
        %dma_start3A_437 = arith.constant 0 : i32
        %dma_start3A_438 = tpu.memref_slice %arg4[%dma_start3A_436, %dma_start3A_437] : memref<2000000x64xf32, #tpu.memory_space<hbm>> -> memref<2000000x64xf32, #tpu.memory_space<hbm>>
        tpu.enqueue_indirect_dma source(%dma_start3A_438 : memref<2000000x64xf32, #tpu.memory_space<hbm>>) target(%dma_start3A_432 : memref<128x64xf32, #tpu.memory_space<vmem>>) offsets(%dma_start3A_435 : memref<128xi32, #tpu.memory_space<vmem>>) semaphore(%arg10 : memref<!tpu.dma_semaphore, #tpu.memory_space<semaphore_mem>>)
      } else {
      }
      %jit3A_317 = arith.constant 8 : i32
      %div3A_318 = arith.divsi %scan3A_311, %jit3A_317 : i32
      %sign3A_319 = arith.constant 0 : i32
      %sign3A_320 = arith.cmpi sgt, %scan3A_311, %sign3A_319 : i32
      %sign3A_321 = arith.extui %sign3A_320 : i1 to i32
      %sign3A_322 = arith.constant 0 : i32
      %sign3A_323 = arith.cmpi slt, %scan3A_311, %sign3A_322 : i32
      %sign3A_324 = arith.extui %sign3A_323 : i1 to i32
      %sign3A_325 = arith.subi %sign3A_321, %sign3A_324 : i32
      %sign3A_326 = arith.constant 0 : i32
      %sign3A_327 = arith.cmpi sgt, %jit3A_317, %sign3A_326 : i32
      %sign3A_328 = arith.extui %sign3A_327 : i1 to i32
      %sign3A_329 = arith.constant 0 : i32
      %sign3A_330 = arith.cmpi slt, %jit3A_317, %sign3A_329 : i32
      %sign3A_331 = arith.extui %sign3A_330 : i1 to i32
      %sign3A_332 = arith.subi %sign3A_328, %sign3A_331 : i32
      %ne3A_333 = arith.cmpi ne, %sign3A_325, %sign3A_332 : i32
      %rem3A_334 = arith.remsi %scan3A_311, %jit3A_317 : i32
      %ne3A_335 = arith.constant 0 : i32
      %ne3A_336 = arith.cmpi ne, %rem3A_334, %ne3A_335 : i32
      %and3A_337 = arith.andi %ne3A_333, %ne3A_336 : i1
      %sub3A_338 = arith.constant 1 : i32
      %sub3A_339 = arith.subi %div3A_318, %sub3A_338 : i32
      %select_n3A_340 = arith.select %and3A_337, %sub3A_339, %div3A_318 : i32
      %rem3A_341 = arith.constant 8 : i32
      %rem3A_342 = arith.remsi %scan3A_311, %rem3A_341 : i32
      %rem3A_343 = arith.constant 7 : i32
      %rem3A_344 = arith.remsi %scan3A_311, %rem3A_343 : i32
      %dma_wait3A_345 = arith.constant 0 : i32
      %dma_wait3A_346 = arith.constant 0 : i32
      %dma_wait3A_347 = tpu.memref_slice %arg8[%rem3A_344, %dma_wait3A_345, %dma_wait3A_346] : memref<7x128x64xf32, #tpu.memory_space<vmem>> -> memref<1x128x64xf32, #tpu.memory_space<vmem>>
      %dma_wait3A_348 = tpu.memref_squeeze %dma_wait3A_347 : memref<1x128x64xf32, #tpu.memory_space<vmem>> -> memref<128x64xf32, #tpu.memory_space<vmem>>
      %dma_wait3A_349 = arith.constant 0 : i32
      %dma_wait3A_350 = tpu.memref_slice %arg6[%select_n3A_340, %rem3A_342, %dma_wait3A_349] : memref<25x8x128xi32, #tpu.memory_space<vmem>> -> memref<1x1x128xi32, #tpu.memory_space<vmem>>
      %dma_wait3A_351 = tpu.memref_squeeze %dma_wait3A_350 : memref<1x1x128xi32, #tpu.memory_space<vmem>> -> memref<128xi32, #tpu.memory_space<vmem>>
      %dma_wait3A_352 = arith.constant 0 : i32
      %dma_wait3A_353 = arith.constant 0 : i32
      %dma_wait3A_354 = tpu.memref_slice %arg4[%dma_wait3A_352, %dma_wait3A_353] : memref<2000000x64xf32, #tpu.memory_space<hbm>> -> memref<2000000x64xf32, #tpu.memory_space<hbm>>
      tpu.wait_indirect_dma semaphore(%arg10 : memref<!tpu.dma_semaphore, #tpu.memory_space<semaphore_mem>>) src(%dma_wait3A_354 : memref<2000000x64xf32, #tpu.memory_space<hbm>>) dst(%dma_wait3A_348 : memref<128x64xf32, #tpu.memory_space<vmem>>)
      %ge3A = arith.constant 3 : i32
      %ge3A_355 = arith.cmpi sge, %scan3A_311, %ge3A : i32
      %convert_element_type3A_356 = arith.extui %ge3A_355 : i1 to i32
      %cond3A_357 = arith.constant 0 : i32
      %cond3A_358 = arith.cmpi ne, %convert_element_type3A_356, %cond3A_357 : i32
      scf.if %cond3A_358 {
        %dma_wait3A_399 = arith.constant 0 : i32
        %dma_wait3A_400 = arith.constant 0 : i32
        %dma_wait3A_401 = arith.constant 0 : i32
        %dma_wait3A_402 = arith.constant 0 : i32
        %dma_wait3A_403 = arith.constant 0 : i32
        %dma_wait3A_404 = arith.constant 0 : i32
        %dma_wait3A_405 = tpu.memref_slice %arg9[%dma_wait3A_399, %dma_wait3A_402, %dma_wait3A_403, %dma_wait3A_404] : memref<3x8x8x133xf32, #tpu.memory_space<vmem>> -> memref<1x8x8x128xf32, #tpu.memory_space<vmem>>
        %dma_wait3A_406 = tpu.memref_squeeze %dma_wait3A_405 : memref<1x8x8x128xf32, #tpu.memory_space<vmem>> -> memref<8x8x128xf32, #tpu.memory_space<vmem>>
        %dma_wait3A_407 = arith.constant 0 : i32
        %dma_wait3A_408 = arith.constant 0 : i32
        %dma_wait3A_409 = arith.constant 0 : i32
        %dma_wait3A_410 = tpu.memref_slice %arg5[%dma_wait3A_400, %dma_wait3A_407, %dma_wait3A_401, %dma_wait3A_408, %dma_wait3A_409] : memref<200x8x32x8x128xf32, #tpu.memory_space<hbm>> -> memref<1x8x1x8x128xf32, #tpu.memory_space<hbm>>
        %dma_wait3A_411 = tpu.memref_squeeze %dma_wait3A_410 : memref<1x8x1x8x128xf32, #tpu.memory_space<hbm>> -> memref<8x8x128xf32, #tpu.memory_space<hbm>>
        %dma_wait3A_412 = arith.constant 0 : i32
        %dma_wait3A_413 = arith.constant 0 : i32
        %dma_wait3A_414 = arith.constant 0 : i32
        %dma_wait3A_415 = tpu.memref_slice %arg5[%dma_wait3A_400, %dma_wait3A_412, %dma_wait3A_401, %dma_wait3A_413, %dma_wait3A_414] : memref<200x8x32x8x128xf32, #tpu.memory_space<hbm>> -> memref<1x8x1x8x128xf32, #tpu.memory_space<hbm>>
        %dma_wait3A_416 = tpu.memref_squeeze %dma_wait3A_415 : memref<1x8x1x8x128xf32, #tpu.memory_space<hbm>> -> memref<8x8x128xf32, #tpu.memory_space<hbm>>
        %dma_wait3A_417 = arith.constant 0 : i32
        %dma_wait3A_418 = arith.constant 0 : i32
        %dma_wait3A_419 = arith.constant 0 : i32
        %dma_wait3A_420 = tpu.memref_slice %arg9[%dma_wait3A_399, %dma_wait3A_417, %dma_wait3A_418, %dma_wait3A_419] : memref<3x8x8x133xf32, #tpu.memory_space<vmem>> -> memref<1x8x8x128xf32, #tpu.memory_space<vmem>>
        %dma_wait3A_421 = tpu.memref_squeeze %dma_wait3A_420 : memref<1x8x8x128xf32, #tpu.memory_space<vmem>> -> memref<8x8x128xf32, #tpu.memory_space<vmem>>
        tpu.wait_dma2 semaphore(%arg11 : memref<!tpu.dma_semaphore, #tpu.memory_space<semaphore_mem>>) src(%dma_wait3A_421 : memref<8x8x128xf32, #tpu.memory_space<vmem>>) dst(%dma_wait3A_416 : memref<8x8x128xf32, #tpu.memory_space<hbm>>)
      } else {
      }
      %rem3A_359 = arith.constant 7 : i32
      %rem3A_360 = arith.remsi %scan3A_311, %rem3A_359 : i32
      %rem3A_361 = arith.constant 3 : i32
      %rem3A_362 = arith.remsi %scan3A_311, %rem3A_361 : i32
      %get3A = arith.index_cast %scan3A_311 : i32 to index
      %get3A_363 = arith.constant 0 : index
      %get3A_364 = tpu.vector_load %arg7[%get3A, %get3A_363] {strides = array<i32>} : memref<200x64xf32, #tpu.memory_space<vmem>>, vector<16xf32>,
      %get3A_365 = arith.index_cast %scan3A_311 : i32 to index
      %get3A_366 = arith.constant 16 : index
      %get3A_367 = tpu.vector_load %arg7[%get3A_365, %get3A_366] {strides = array<i32>} : memref<200x64xf32, #tpu.memory_space<vmem>>, vector<16xf32>,
      %get3A_368 = arith.index_cast %scan3A_311 : i32 to index
      %get3A_369 = arith.constant 32 : index
      %get3A_370 = tpu.vector_load %arg7[%get3A_368, %get3A_369] {strides = array<i32>} : memref<200x64xf32, #tpu.memory_space<vmem>>, vector<16xf32>,
      %get3A_371 = arith.index_cast %scan3A_311 : i32 to index
      %get3A_372 = arith.constant 48 : index
      %get3A_373 = tpu.vector_load %arg7[%get3A_371, %get3A_372] {strides = array<i32>} : memref<200x64xf32, #tpu.memory_space<vmem>>, vector<16xf32>,
      %parallel_loop3A = arith.constant 0 : i32
      %parallel_loop3A_374 = arith.constant 128 : i32
      %parallel_loop3A_375 = arith.constant 1 : i32
      scf.for %parallel_loop3A_399 = %parallel_loop3A to %parallel_loop3A_374 step %parallel_loop3A_375  : i32 {
        %parallel_loop3A_400 = vector.broadcast %parallel_loop3A_399 : i32 to vector<16xi32>
        %parallel_loop3A_401 = arith.index_cast %rem3A_360 : i32 to index
        %parallel_loop3A_402 = arith.index_cast %parallel_loop3A_399 : i32 to index
        %parallel_loop3A_403 = arith.constant 0 : index
        %parallel_loop3A_404 = tpu.vector_load %arg8[%parallel_loop3A_401, %parallel_loop3A_402, %parallel_loop3A_403] {strides = array<i32>} : memref<7x128x64xf32, #tpu.memory_space<vmem>>, vector<16xf32>,
        %parallel_loop3A_405 = arith.addf %parallel_loop3A_404, %get3A_364 : vector<16xf32>
        %parallel_loop3A_406 = arith.constant 0 : i32
        %parallel_loop3A_407 = arith.constant 0 : i32
        %parallel_loop3A_408 = arith.constant 0 : i32
        %parallel_loop3A_409 = tpu.memref_slice %arg9[%rem3A_362, %parallel_loop3A_406, %parallel_loop3A_407, %parallel_loop3A_408] : memref<3x8x8x133xf32, #tpu.memory_space<vmem>> -> memref<1x8x8x133xf32, #tpu.memory_space<vmem>>
        %parallel_loop3A_410 = tpu.memref_squeeze %parallel_loop3A_409 : memref<1x8x8x133xf32, #tpu.memory_space<vmem>> -> memref<8x8x133xf32, #tpu.memory_space<vmem>>
        tpu.vector_store_idx %parallel_loop3A_410[%select_n3A, %rem3A_134, %parallel_loop3A_400], %parallel_loop3A_405 : memref<8x8x133xf32, #tpu.memory_space<vmem>>[vector<16xi32>, vector<16xi32>, vector<16xi32>], vector<16xf32>,
        %parallel_loop3A_411 = arith.index_cast %rem3A_360 : i32 to index
        %parallel_loop3A_412 = arith.index_cast %parallel_loop3A_399 : i32 to index
        %parallel_loop3A_413 = arith.constant 16 : index
        %parallel_loop3A_414 = tpu.vector_load %arg8[%parallel_loop3A_411, %parallel_loop3A_412, %parallel_loop3A_413] {strides = array<i32>} : memref<7x128x64xf32, #tpu.memory_space<vmem>>, vector<16xf32>,
        %parallel_loop3A_415 = arith.addf %parallel_loop3A_414, %get3A_367 : vector<16xf32>
        %parallel_loop3A_416 = arith.constant 0 : i32
        %parallel_loop3A_417 = arith.constant 0 : i32
        %parallel_loop3A_418 = arith.constant 0 : i32
        %parallel_loop3A_419 = tpu.memref_slice %arg9[%rem3A_362, %parallel_loop3A_416, %parallel_loop3A_417, %parallel_loop3A_418] : memref<3x8x8x133xf32, #tpu.memory_space<vmem>> -> memref<1x8x8x133xf32, #tpu.memory_space<vmem>>
        %parallel_loop3A_420 = tpu.memref_squeeze %parallel_loop3A_419 : memref<1x8x8x133xf32, #tpu.memory_space<vmem>> -> memref<8x8x133xf32, #tpu.memory_space<vmem>>
        tpu.vector_store_idx %parallel_loop3A_420[%select_n3A_60, %rem3A_140, %parallel_loop3A_400], %parallel_loop3A_415 : memref<8x8x133xf32, #tpu.memory_space<vmem>>[vector<16xi32>, vector<16xi32>, vector<16xi32>], vector<16xf32>,
        %parallel_loop3A_421 = arith.index_cast %rem3A_360 : i32 to index
        %parallel_loop3A_422 = arith.index_cast %parallel_loop3A_399 : i32 to index
        %parallel_loop3A_423 = arith.constant 32 : index
        %parallel_loop3A_424 = tpu.vector_load %arg8[%parallel_loop3A_421, %parallel_loop3A_422, %parallel_loop3A_423] {strides = array<i32>} : memref<7x128x64xf32, #tpu.memory_space<vmem>>, vector<16xf32>,
        %parallel_loop3A_425 = arith.addf %parallel_loop3A_424, %get3A_370 : vector<16xf32>
        %parallel_loop3A_426 = arith.constant 0 : i32
        %parallel_loop3A_427 = arith.constant 0 : i32
        %parallel_loop3A_428 = arith.constant 0 : i32
        %parallel_loop3A_429 = tpu.memref_slice %arg9[%rem3A_362, %parallel_loop3A_426, %parallel_loop3A_427, %parallel_loop3A_428] : memref<3x8x8x133xf32, #tpu.memory_space<vmem>> -> memref<1x8x8x133xf32, #tpu.memory_space<vmem>>
        %parallel_loop3A_430 = tpu.memref_squeeze %parallel_loop3A_429 : memref<1x8x8x133xf32, #tpu.memory_space<vmem>> -> memref<8x8x133xf32, #tpu.memory_space<vmem>>
        tpu.vector_store_idx %parallel_loop3A_430[%select_n3A_94, %rem3A_146, %parallel_loop3A_400], %parallel_loop3A_425 : memref<8x8x133xf32, #tpu.memory_space<vmem>>[vector<16xi32>, vector<16xi32>, vector<16xi32>], vector<16xf32>,
        %parallel_loop3A_431 = arith.index_cast %rem3A_360 : i32 to index
        %parallel_loop3A_432 = arith.index_cast %parallel_loop3A_399 : i32 to index
        %parallel_loop3A_433 = arith.constant 48 : index
        %parallel_loop3A_434 = tpu.vector_load %arg8[%parallel_loop3A_431, %parallel_loop3A_432, %parallel_loop3A_433] {strides = array<i32>} : memref<7x128x64xf32, #tpu.memory_space<vmem>>, vector<16xf32>,
        %parallel_loop3A_435 = arith.addf %parallel_loop3A_434, %get3A_373 : vector<16xf32>
        %parallel_loop3A_436 = arith.constant 0 : i32
        %parallel_loop3A_437 = arith.constant 0 : i32
        %parallel_loop3A_438 = arith.constant 0 : i32
        %parallel_loop3A_439 = tpu.memref_slice %arg9[%rem3A_362, %parallel_loop3A_436, %parallel_loop3A_437, %parallel_loop3A_438] : memref<3x8x8x133xf32, #tpu.memory_space<vmem>> -> memref<1x8x8x133xf32, #tpu.memory_space<vmem>>
        %parallel_loop3A_440 = tpu.memref_squeeze %parallel_loop3A_439 : memref<1x8x8x133xf32, #tpu.memory_space<vmem>> -> memref<8x8x133xf32, #tpu.memory_space<vmem>>
        tpu.vector_store_idx %parallel_loop3A_440[%select_n3A_128, %rem3A_152, %parallel_loop3A_400], %parallel_loop3A_435 : memref<8x8x133xf32, #tpu.memory_space<vmem>>[vector<16xi32>, vector<16xi32>, vector<16xi32>], vector<16xf32>,
      } {sc.loop_unroll_factor = 4 : i64, sc.parallel_access}
      %rem3A_376 = arith.constant 3 : i32
      %rem3A_377 = arith.remsi %scan3A_311, %rem3A_376 : i32
      %dma_start3A_378 = arith.constant 0 : i32
      %dma_start3A_379 = arith.constant 0 : i32
      %dma_start3A_380 = arith.constant 0 : i32
      %dma_start3A_381 = tpu.memref_slice %arg9[%rem3A_377, %dma_start3A_378, %dma_start3A_379, %dma_start3A_380] : memref<3x8x8x133xf32, #tpu.memory_space<vmem>> -> memref<1x8x8x128xf32, #tpu.memory_space<vmem>>
      %dma_start3A_382 = tpu.memref_squeeze %dma_start3A_381 : memref<1x8x8x128xf32, #tpu.memory_space<vmem>> -> memref<8x8x128xf32, #tpu.memory_space<vmem>>
      %dma_start3A_383 = arith.constant 0 : i32
      %dma_start3A_384 = arith.constant 0 : i32
      %dma_start3A_385 = arith.constant 0 : i32
      %dma_start3A_386 = tpu.memref_slice %arg5[%scan3A_311, %dma_start3A_383, %add3A, %dma_start3A_384, %dma_start3A_385] : memref<200x8x32x8x128xf32, #tpu.memory_space<hbm>> -> memref<1x8x1x8x128xf32, #tpu.memory_space<hbm>>
      %dma_start3A_387 = tpu.memref_squeeze %dma_start3A_386 : memref<1x8x1x8x128xf32, #tpu.memory_space<hbm>> -> memref<8x8x128xf32, #tpu.memory_space<hbm>>
      %dma_start3A_388 = arith.constant 0 : i32
      %dma_start3A_389 = arith.constant 0 : i32
      %dma_start3A_390 = arith.constant 0 : i32
      %dma_start3A_391 = tpu.memref_slice %arg5[%scan3A_311, %dma_start3A_388, %add3A, %dma_start3A_389, %dma_start3A_390] : memref<200x8x32x8x128xf32, #tpu.memory_space<hbm>> -> memref<1x8x1x8x128xf32, #tpu.memory_space<hbm>>
      %dma_start3A_392 = tpu.memref_squeeze %dma_start3A_391 : memref<1x8x1x8x128xf32, #tpu.memory_space<hbm>> -> memref<8x8x128xf32, #tpu.memory_space<hbm>>
      %dma_start3A_393 = arith.constant 0 : i32
      %dma_start3A_394 = arith.constant 0 : i32
      %dma_start3A_395 = arith.constant 0 : i32
      %dma_start3A_396 = tpu.memref_slice %arg9[%rem3A_377, %dma_start3A_393, %dma_start3A_394, %dma_start3A_395] : memref<3x8x8x133xf32, #tpu.memory_space<vmem>> -> memref<1x8x8x128xf32, #tpu.memory_space<vmem>>
      %dma_start3A_397 = tpu.memref_squeeze %dma_start3A_396 : memref<1x8x8x128xf32, #tpu.memory_space<vmem>> -> memref<8x8x128xf32, #tpu.memory_space<vmem>>
      tpu.enqueue_dma source(%dma_start3A_397 : memref<8x8x128xf32, #tpu.memory_space<vmem>>) target(%dma_start3A_392 : memref<8x8x128xf32, #tpu.memory_space<hbm>>) target_semaphore(%arg11 : memref<!tpu.dma_semaphore, #tpu.memory_space<semaphore_mem>>)
      %scan3A_398 = arith.constant 0 : i32
      scf.yield %scan3A_398 : i32
    }
    %scan3A_242 = arith.constant 200 : i32
    %dma_wait3A = arith.constant 0 : i32
    %dma_wait3A_243 = arith.constant 0 : i32
    %dma_wait3A_244 = arith.constant 0 : i32
    %dma_wait3A_245 = arith.constant 0 : i32
    %dma_wait3A_246 = arith.constant 0 : i32
    %dma_wait3A_247 = arith.constant 0 : i32
    %dma_wait3A_248 = tpu.memref_slice %arg9[%dma_wait3A, %dma_wait3A_245, %dma_wait3A_246, %dma_wait3A_247] : memref<3x8x8x133xf32, #tpu.memory_space<vmem>> -> memref<1x8x8x128xf32, #tpu.memory_space<vmem>>
    %dma_wait3A_249 = tpu.memref_squeeze %dma_wait3A_248 : memref<1x8x8x128xf32, #tpu.memory_space<vmem>> -> memref<8x8x128xf32, #tpu.memory_space<vmem>>
    %dma_wait3A_250 = arith.constant 0 : i32
    %dma_wait3A_251 = arith.constant 0 : i32
    %dma_wait3A_252 = arith.constant 0 : i32
    %dma_wait3A_253 = tpu.memref_slice %arg5[%dma_wait3A_243, %dma_wait3A_250, %dma_wait3A_244, %dma_wait3A_251, %dma_wait3A_252] : memref<200x8x32x8x128xf32, #tpu.memory_space<hbm>> -> memref<1x8x1x8x128xf32, #tpu.memory_space<hbm>>
    %dma_wait3A_254 = tpu.memref_squeeze %dma_wait3A_253 : memref<1x8x1x8x128xf32, #tpu.memory_space<hbm>> -> memref<8x8x128xf32, #tpu.memory_space<hbm>>
    %dma_wait3A_255 = arith.constant 0 : i32
    %dma_wait3A_256 = arith.constant 0 : i32
    %dma_wait3A_257 = arith.constant 0 : i32
    %dma_wait3A_258 = tpu.memref_slice %arg5[%dma_wait3A_243, %dma_wait3A_255, %dma_wait3A_244, %dma_wait3A_256, %dma_wait3A_257] : memref<200x8x32x8x128xf32, #tpu.memory_space<hbm>> -> memref<1x8x1x8x128xf32, #tpu.memory_space<hbm>>
    %dma_wait3A_259 = tpu.memref_squeeze %dma_wait3A_258 : memref<1x8x1x8x128xf32, #tpu.memory_space<hbm>> -> memref<8x8x128xf32, #tpu.memory_space<hbm>>
    %dma_wait3A_260 = arith.constant 0 : i32
    %dma_wait3A_261 = arith.constant 0 : i32
    %dma_wait3A_262 = arith.constant 0 : i32
    %dma_wait3A_263 = tpu.memref_slice %arg9[%dma_wait3A, %dma_wait3A_260, %dma_wait3A_261, %dma_wait3A_262] : memref<3x8x8x133xf32, #tpu.memory_space<vmem>> -> memref<1x8x8x128xf32, #tpu.memory_space<vmem>>
    %dma_wait3A_264 = tpu.memref_squeeze %dma_wait3A_263 : memref<1x8x8x128xf32, #tpu.memory_space<vmem>> -> memref<8x8x128xf32, #tpu.memory_space<vmem>>
    tpu.wait_dma2 semaphore(%arg11 : memref<!tpu.dma_semaphore, #tpu.memory_space<semaphore_mem>>) src(%dma_wait3A_264 : memref<8x8x128xf32, #tpu.memory_space<vmem>>) dst(%dma_wait3A_259 : memref<8x8x128xf32, #tpu.memory_space<hbm>>)
    %dma_wait3A_265 = arith.constant 0 : i32
    %dma_wait3A_266 = arith.constant 0 : i32
    %dma_wait3A_267 = arith.constant 0 : i32
    %dma_wait3A_268 = arith.constant 0 : i32
    %dma_wait3A_269 = arith.constant 0 : i32
    %dma_wait3A_270 = arith.constant 0 : i32
    %dma_wait3A_271 = tpu.memref_slice %arg9[%dma_wait3A_265, %dma_wait3A_268, %dma_wait3A_269, %dma_wait3A_270] : memref<3x8x8x133xf32, #tpu.memory_space<vmem>> -> memref<1x8x8x128xf32, #tpu.memory_space<vmem>>
    %dma_wait3A_272 = tpu.memref_squeeze %dma_wait3A_271 : memref<1x8x8x128xf32, #tpu.memory_space<vmem>> -> memref<8x8x128xf32, #tpu.memory_space<vmem>>
    %dma_wait3A_273 = arith.constant 0 : i32
    %dma_wait3A_274 = arith.constant 0 : i32
    %dma_wait3A_275 = arith.constant 0 : i32
    %dma_wait3A_276 = tpu.memref_slice %arg5[%dma_wait3A_266, %dma_wait3A_273, %dma_wait3A_267, %dma_wait3A_274, %dma_wait3A_275] : memref<200x8x32x8x128xf32, #tpu.memory_space<hbm>> -> memref<1x8x1x8x128xf32, #tpu.memory_space<hbm>>
    %dma_wait3A_277 = tpu.memref_squeeze %dma_wait3A_276 : memref<1x8x1x8x128xf32, #tpu.memory_space<hbm>> -> memref<8x8x128xf32, #tpu.memory_space<hbm>>
    %dma_wait3A_278 = arith.constant 0 : i32
    %dma_wait3A_279 = arith.constant 0 : i32
    %dma_wait3A_280 = arith.constant 0 : i32
    %dma_wait3A_281 = tpu.memref_slice %arg5[%dma_wait3A_266, %dma_wait3A_278, %dma_wait3A_267, %dma_wait3A_279, %dma_wait3A_280] : memref<200x8x32x8x128xf32, #tpu.memory_space<hbm>> -> memref<1x8x1x8x128xf32, #tpu.memory_space<hbm>>
    %dma_wait3A_282 = tpu.memref_squeeze %dma_wait3A_281 : memref<1x8x1x8x128xf32, #tpu.memory_space<hbm>> -> memref<8x8x128xf32, #tpu.memory_space<hbm>>
    %dma_wait3A_283 = arith.constant 0 : i32
    %dma_wait3A_284 = arith.constant 0 : i32
    %dma_wait3A_285 = arith.constant 0 : i32
    %dma_wait3A_286 = tpu.memref_slice %arg9[%dma_wait3A_265, %dma_wait3A_283, %dma_wait3A_284, %dma_wait3A_285] : memref<3x8x8x133xf32, #tpu.memory_space<vmem>> -> memref<1x8x8x128xf32, #tpu.memory_space<vmem>>
    %dma_wait3A_287 = tpu.memref_squeeze %dma_wait3A_286 : memref<1x8x8x128xf32, #tpu.memory_space<vmem>> -> memref<8x8x128xf32, #tpu.memory_space<vmem>>
    tpu.wait_dma2 semaphore(%arg11 : memref<!tpu.dma_semaphore, #tpu.memory_space<semaphore_mem>>) src(%dma_wait3A_287 : memref<8x8x128xf32, #tpu.memory_space<vmem>>) dst(%dma_wait3A_282 : memref<8x8x128xf32, #tpu.memory_space<hbm>>)
    %dma_wait3A_288 = arith.constant 0 : i32
    %dma_wait3A_289 = arith.constant 0 : i32
    %dma_wait3A_290 = arith.constant 0 : i32
    %dma_wait3A_291 = arith.constant 0 : i32
    %dma_wait3A_292 = arith.constant 0 : i32
    %dma_wait3A_293 = arith.constant 0 : i32
    %dma_wait3A_294 = tpu.memref_slice %arg9[%dma_wait3A_288, %dma_wait3A_291, %dma_wait3A_292, %dma_wait3A_293] : memref<3x8x8x133xf32, #tpu.memory_space<vmem>> -> memref<1x8x8x128xf32, #tpu.memory_space<vmem>>
    %dma_wait3A_295 = tpu.memref_squeeze %dma_wait3A_294 : memref<1x8x8x128xf32, #tpu.memory_space<vmem>> -> memref<8x8x128xf32, #tpu.memory_space<vmem>>
    %dma_wait3A_296 = arith.constant 0 : i32
    %dma_wait3A_297 = arith.constant 0 : i32
    %dma_wait3A_298 = arith.constant 0 : i32
    %dma_wait3A_299 = tpu.memref_slice %arg5[%dma_wait3A_289, %dma_wait3A_296, %dma_wait3A_290, %dma_wait3A_297, %dma_wait3A_298] : memref<200x8x32x8x128xf32, #tpu.memory_space<hbm>> -> memref<1x8x1x8x128xf32, #tpu.memory_space<hbm>>
    %dma_wait3A_300 = tpu.memref_squeeze %dma_wait3A_299 : memref<1x8x1x8x128xf32, #tpu.memory_space<hbm>> -> memref<8x8x128xf32, #tpu.memory_space<hbm>>
    %dma_wait3A_301 = arith.constant 0 : i32
    %dma_wait3A_302 = arith.constant 0 : i32
    %dma_wait3A_303 = arith.constant 0 : i32
    %dma_wait3A_304 = tpu.memref_slice %arg5[%dma_wait3A_289, %dma_wait3A_301, %dma_wait3A_290, %dma_wait3A_302, %dma_wait3A_303] : memref<200x8x32x8x128xf32, #tpu.memory_space<hbm>> -> memref<1x8x1x8x128xf32, #tpu.memory_space<hbm>>
    %dma_wait3A_305 = tpu.memref_squeeze %dma_wait3A_304 : memref<1x8x1x8x128xf32, #tpu.memory_space<hbm>> -> memref<8x8x128xf32, #tpu.memory_space<hbm>>
    %dma_wait3A_306 = arith.constant 0 : i32
    %dma_wait3A_307 = arith.constant 0 : i32
    %dma_wait3A_308 = arith.constant 0 : i32
    %dma_wait3A_309 = tpu.memref_slice %arg9[%dma_wait3A_288, %dma_wait3A_306, %dma_wait3A_307, %dma_wait3A_308] : memref<3x8x8x133xf32, #tpu.memory_space<vmem>> -> memref<1x8x8x128xf32, #tpu.memory_space<vmem>>
    %dma_wait3A_310 = tpu.memref_squeeze %dma_wait3A_309 : memref<1x8x8x128xf32, #tpu.memory_space<vmem>> -> memref<8x8x128xf32, #tpu.memory_space<vmem>>
    tpu.wait_dma2 semaphore(%arg11 : memref<!tpu.dma_semaphore, #tpu.memory_space<semaphore_mem>>) src(%dma_wait3A_310 : memref<8x8x128xf32, #tpu.memory_space<vmem>>) dst(%dma_wait3A_305 : memref<8x8x128xf32, #tpu.memory_space<hbm>>)
    return
  }
}

</mosaic_0001>

<sc_bundles>
// kernel: _pe_lookup.3.cloned.1.call-start
scs
__scs_entry_jumppad:
0x0: {  	(pc) =	sbr.rel $0x88, $3  }
0x1: {  	(tag) =	ssettag $0x0;
	lr =	simm.s32 $0x1  }
0x2: {  	[smem:$0x3F9E] =	sst lr;
	_ =	strace $0xD0000000  }
0x3: {  	_ = 	snop  }
0x4: {  	_ = 	snop  }
0x5: {  	_ = 	snop  }
0x6: {  	_ = 	snop  }
0x7: {  	_ = 	snop  }
__scs_overlays_trampoline_lowered:
0x8: {  	[smem:$0x3FAD] =	sst s0  }
0x9: {  	[smem:$0x3FAE] =	sst s1  }
0xa: {  	[smem:$0x3FAF] =	sst s2  }
0xb: {  	[smem:$0x3FB0] =	sst s3  }
0xc: {  	[smem:$0x3FB1] =	sst s4  }
0xd: {  	[smem:$0x3FB2] =	sst s5  }
0xe: {  	[smem:$0x3FB3] =	sst s6  }
0xf: {  	[smem:$0x3FB4] =	sst s7  }
0x10: {  	[smem:$0x3FB5] =	sst s8  }
0x11: {  	[smem:$0x3FB6] =	sst s9;
	s0 =	simm.s32 @!p0 $0x0  }
0x12: {  	s1 =	sld [smem:$0x3F9C];
	s0 =	simm.s32 @p0 $0x1  }
0x13: {  	[smem:$0x3FB7] =	sst s0;
	s0 =	simm.s32 @!p1 $0x0  }
0x14: {  	s2 =	sld [smem:$0x3F9B];
	s0 =	simm.s32 @p1 $0x1  }
0x15: {  	[smem:$0x3FB8] =	sst s0;
	s0 =	simm.s32 @!p2 $0x0  }
0x16: {  	s3 =	sld [smem:$0x3FDB];
	s0 =	simm.s32 @p2 $0x1  }
0x17: {  	s4 =	simm.s32 $0x1BF5;
	[smem:$0x3FBA] =	sst s0  }
0x18: {  	s0 =	sld [smem:$0x3F9D];
	_ =	swait.ge [sflag:s4], $0x0  }
0x19: {  	s7 =	sld [smem:$0x3F9E]  }
0x1a: {  	s8 =	sadd.s32 $0xFFFFE003, lr  }
0x1b: {  	s9 =	sadd.s32 $0xFFFFFEF7, lr;
	s5 =	simm.s32 $0xFFFFFFFF;
	p2 =	slt.u32 s8, $0xFFFFF086  }
0x1c: {  	p1 =	slt.u32 s9, $0xF7A;
	s5 =	simm.s32 @!p2 $0x0  }
0x1d: {  	s5 =	simm.s32 @p1 $0x1;
	p0 =	seq.s32 s7, s2  }
0x1e: {  	s7 =	smul.u32 @!p0 $0xF7A, s2;
	p2 =	seq.s32 @!p0 s5, $0x0  }
0x1f: {  	s9 =	smul.u32 $0xF7A, s1;
	s8 =	simm.s32 @!p0 $0x1BF5;
	p2 =	por !p2, p0  }
0x20: {  	[sflag:s8] =	ssyncset.s32 @!p0 $0xFFFFF086;
	s6 =	sadd.s32 @!p0 s3, s7;
	s7 =	simm.s32 @!p0 $0x108  }
0x21: {  	s3 =	sadd.s32 s3, s9;
	s6 =	sadd.s32 @!p0 $0x88, s6;
	s7 =	simm.s32 @p2 $0x1082  }
0x22: {  	[simem:s7], [sflag:s8] =	dma.local @!p0 [hbm:s6], $0xF7A  }
0x23: {  	s9 =	sor.u32 $0xD0000000, s2;
	s6 =	simm.s32 $0x108;
	_ =	swait.ge @!p0 [sflag:s8], $0x0  }
0x24: {  	s3 =	sadd.s32 $0x88, s3;
	s6 =	simm.s32 @!p1 $0x1082;
	[sflag:s4] =	ssyncset.s32 $0xFFFFF086  }
0x25: {  	[simem:s6], [sflag:s4] =	dma.local [hbm:s3], $0xF7A  }
0x26: {  	[smem:$0x3F9E] =	sst s1;
	(tag) =	ssettag s2;
	_ =	strace s9  }
0x27: {  	s1 =	sld [smem:$0x3FAE]  }
0x28: {  	s2 =	sld [smem:$0x3FAF]  }
0x29: {  	s4 =	sld [smem:$0x3FB1]  }
0x2a: {  	p0 =	seq.s32 s5, $0x0;
	s5 =	sld [smem:$0x3FB2]  }
0x2b: {  	s6 =	sld [smem:$0x3FB3]  }
0x2c: {  	s7 =	sld [smem:$0x3FB4]  }
0x2d: {  	s3 =	simm.s32 $0x108;
	s8 =	sld [smem:$0x3FB5]  }
0x2e: {  	s3 =	simm.s32 @!p0 $0x1082;
	s9 =	sld [smem:$0x3FB6]  }
0x2f: {  	lr =	sadd.s32 s0, s3;
	s0 =	sld [smem:$0x3FAD]  }
0x30: {  	s3 =	sld [smem:$0x3FB0]  }
0x31: {  	[smem:$0x3FB9] =	sst s10  }
0x32: {  	s10 =	sld [smem:$0x3FB7];
	_ =	sdelay $0x3  }
0x33: {  	p0 =	seq.s32 s10, $0x1;
	s10 =	sld [smem:$0x3FB9];
	_ =	sdelay $0x3  }
0x34: {  	[smem:$0x3FB9] =	sst s10  }
0x35: {  	s10 =	sld [smem:$0x3FB8];
	_ =	sdelay $0x3  }
0x36: {  	p1 =	seq.s32 s10, $0x1;
	s10 =	sld [smem:$0x3FB9];
	_ =	sdelay $0x3  }
0x37: {  	[smem:$0x3FB9] =	sst s10  }
0x38: {  	s10 =	sld [smem:$0x3FBA]  }
0x39: {  	_ = 	snop;
	(pc) =	sbr.ind lr, $3  }
0x3a: {  	_ = 	snop  }
0x3b: {  	_ = 	snop  }
0x3c: {  	p2 =	seq.s32 s10, $0x1;
	s10 =	sld [smem:$0x3FB9]  }
0x3d: {  	_ =	shalt  }
0x3e: {  	_ =	shalt  }
0x3f: {  	_ =	shalt  }
0x40: {  	_ =	shalt  }
0x41: {  	_ =	shalt  }
0x42: {  	_ =	shalt  }
0x43: {  	_ =	shalt  }
0x44: {  	_ =	shalt  }
0x45: {  	_ =	shalt  }
0x46: {  	_ =	shalt  }
0x47: {  	_ =	shalt  }
0x48: {  	_ =	shalt  }
0x49: {  	_ =	shalt  }
0x4a: {  	_ =	shalt  }
0x4b: {  	_ =	shalt  }
0x4c: {  	_ =	shalt  }
0x4d: {  	_ =	shalt  }
0x4e: {  	_ =	shalt  }
0x4f: {  	_ =	shalt  }
0x50: {  	_ =	shalt  }
0x51: {  	_ =	shalt  }
0x52: {  	_ =	shalt  }
0x53: {  	_ =	shalt  }
0x54: {  	_ =	shalt  }
0x55: {  	_ =	shalt  }
0x56: {  	_ =	shalt  }
0x57: {  	_ =	shalt  }
0x58: {  	_ =	shalt  }
0x59: {  	_ =	shalt  }
0x5a: {  	_ =	shalt  }
0x5b: {  	_ =	shalt  }
0x5c: {  	_ =	shalt  }
0x5d: {  	_ =	shalt  }
0x5e: {  	_ =	shalt  }
0x5f: {  	_ =	shalt  }
0x60: {  	_ =	shalt  }
0x61: {  	_ =	shalt  }
0x62: {  	_ =	shalt  }
0x63: {  	_ =	shalt  }
0x64: {  	_ =	shalt  }
0x65: {  	_ =	shalt  }
0x66: {  	_ =	shalt  }
0x67: {  	_ =	shalt  }
0x68: {  	_ =	shalt  }
0x69: {  	_ =	shalt  }
0x6a: {  	_ =	shalt  }
0x6b: {  	_ =	shalt  }
0x6c: {  	_ =	shalt  }
0x6d: {  	_ =	shalt  }
0x6e: {  	_ =	shalt  }
0x6f: {  	_ =	shalt  }
0x70: {  	_ =	shalt  }
0x71: {  	_ =	shalt  }
0x72: {  	_ =	shalt  }
0x73: {  	_ =	shalt  }
0x74: {  	_ =	shalt  }
0x75: {  	_ =	shalt  }
0x76: {  	_ =	shalt  }
0x77: {  	_ =	shalt  }
0x78: {  	_ =	shalt  }
0x79: {  	_ =	shalt  }
0x7a: {  	_ =	shalt  }
0x7b: {  	_ =	shalt  }
0x7c: {  	_ =	shalt  }
0x7d: {  	_ =	shalt  }
0x7e: {  	_ =	shalt  }
0x7f: {  	_ =	shalt  }
0x80: {  	_ =	shalt  }
0x81: {  	_ =	shalt  }
0x82: {  	_ =	shalt  }
0x83: {  	_ =	shalt  }
0x84: {  	_ =	shalt  }
0x85: {  	_ =	shalt  }
0x86: {  	_ =	shalt  }
0x87: {  	_ =	shalt  }
.Lfunc_end0:
.L_simem_size_0:
called_computation_lowered:
.L_overlay_start_0:
0x88: {  	s2 =	sld [smem:$0x3FD9]  }
0x89: {  	s3 =	sld [smem:$0x3FFE];
	_ =	sdelay $0x1  }
0x8a: {  	s1 =	srdreg.scid  }
0x8b: {  	s0 =	sand.u32 $0x1, s1  }
0x8c: {  	s17 =	sshll.u32 s0, $0xA;
	s2 =	sadd.s32 s3, s2  }
0x8d: {  	s2 =	sadd.s32 s2, s17  }
0x8e: {  	[smem:$0x3FC5] =	sst s2  }
0x8f: {  	_ = 	snop  }
0x90: {  	s2 =	sld [smem:$0x3FC9]  }
0x91: {  	s18 =	sld [smem:$0x3FD0];
	(tm) =	ssettm $0x1  }
0x92: {  	s4 =	sld [smem:$0x3FFB];
	_ =	sdelay $0x3  }
0x93: {  	_ =	strace s4  }
0x94: {  	s4 =	sld [smem:$0x3FFC];
	_ =	sdelay $0x3  }
0x95: {  	_ =	strace s4  }
0x96: {  	s4 =	sld [smem:$0x3FFD];
	_ =	sdelay $0x3  }
0x97: {  	_ =	strace s4  }
0x98: {  	_ =	strace $0x8FFFFFFF  }
0x99: {  	s19 =	sld [smem:$0x3FDB];
	_ =	sdelay $0x1  }
0x9a: {  	s5 =	simm.s32 $_scs_section_size  }
0x9b: {  	s6 =	simm.s32 $_size__tile_overlayer_lowered;
	s7 =	simm.s32 $_tile_overlayer_lowered  }
0x9c: {  	s22 =	simm.s32 $0x1BFF;
	s21 =	sshll.u32 s7, $0x1;
	s4 =	sadd.s32 s5, s19  }
0x9d: {  	s8 =	simm.s32 $0x0;
	s20 =	sshll.u32 s6, $0x1;
	s6 =	sadd.s32 s21, s4  }
0x9e: {  	[timem:s8], [sflag:s22] =	dma.local [hbm:s6], s20  }
0x9f: {  	_ =	swait.ge [sflag:s22], s20  }
0xa0: {  	s5 =	ssub.s32 $0x0, s20;
	[sflag:s22] =	ssyncset.done $0x0  }
0xa1: {  	[sflag:s22] =	ssyncadd.s32 s5;
	_ =	sdelay $0x1  }
0xa2: {  	s23 =	simm.s32 $0x1B8B  }
0xa3: {  	_ =	swait.ge [sflag:s23], $0x1  }
0xa4: {  	[sflag:s23] =	ssyncset.done $0x0  }
0xa5: {  	s25 =	simm.s32 $0x1B8E;
	s24 =	sld [smem:$0x3FFE];
	[sflag:s23] =	ssyncadd.s32 $0xFFFFFFFF  }
0xa6: {  	s26 =	simm.s32 $execute0_lowered;
	[smem:$0x3FD2] =	sst s25  }
0xa7: {  	s6 =	sshll.u32 s26, $0x1;
	_ =	strace $0x80000046;
	[dreg:$0x1] =	wrdreg $0xFFFFFFFF  }
0xa8: {  	s28 =	simm.s32 $_size_execute0_lowered;
	s4 =	sadd.s32 s4, s6;
	[dreg:$0x0] =	wrdreg $0x0  }
0xa9: {  	s6 =	sshll.u32 s28, $0x1;
	[dreg:$0x2] =	wrdreg s4  }
0xaa: {  	[dreg:$0x3] =	wrdreg s6  }
0xab: {  	[dreg:$0x4] =	wrdreg $0xC0  }
0xac: {  	_ =	task [dreg:s8], $0x5FFFF  }
0xad: {  	[dreg:$0x1] =	wrdreg $0xFFFFFFFF  }
0xae: {  	[dreg:$0x0] =	wrdreg $0x60  }
0xaf: {  	[dreg:$0x2] =	wrdreg s2  }
0xb0: {  	[dreg:$0x3] =	wrdreg s24  }
0xb1: {  	[dreg:$0x4] =	wrdreg s18  }
0xb2: {  	[dreg:$0x5] =	wrdreg $0x9  }
0xb3: {  	_ =	task.clear_ibuf [dreg:s8], $0x6FFFF;
	_ =	strace $0x90000046  }
0xb4: {  	s29 =	simm.s32 $0x9;
	_ =	strace $0x80000048  }
0xb5: {  	_ =	swait.ge [sflag:s29], $0x1  }
0xb6: {  	[sflag:s29] =	ssyncadd.s32 $0xFFFFFFFF  }
0xb7: {  	_ =	strace $0x90000048  }
0xb8: {  	_ =	sfence  }
0xb9: {  	s30 =	sld [smem:$0x0];
	_ =	sdelay $0x2  }
0xba: {  	s31 =	sshll.u32 s1, $0xD;
	s1 =	sshrl.u32 s1, $0x2  }
0xbb: {  	s3 =	sand.u32 $0x4000, s31;
	s1 =	sadd.s32 s1, s30  }
0xbc: {  	s0 =	sor.u32 s3, s0;
	s1 =	sshll.u32 s1, $0x11  }
0xbd: {  	s0 =	sor.u32 s1, s0  }
0xbe: {  	s0 =	sadd.s32 $0x8F2B, s0  }
0xbf: {  	[sflag:s0] =	ssyncadd.remote.s32 $0x1  }
0xc0: {  	_ =	sfence.sel $0xFFFF  }
0xc1: {  	[dreg:$0x0] =	wrdreg $0xFFFFFFFF;
	(pc) =	sbr.abs _section_cstart, $3  }
0xc2: {  	[dreg:$0x1] =	wrdreg $0xFFFFFFFF  }
0xc3: {  	_ =	task.clear_ibuf [dreg:s8], $0x2FFFF;
	_ =	strace $0x9FFFFFFF  }
0xc4: {  	(tm) =	ssettm $0x7FFFFFFF  }
0xc5: {  	_ =	shalt  }
tec
execute0_lowered:
.L_overlay_start_1:
0x0: {  	(tag) =	ssettag $0x1  }
0x1: {  	s0 =	rddreg [dreg:$0x0]  }
0x2: {  	s2 =	rddreg [dreg:$0x1]  }
0x3: {  	s1 =	rddreg [dreg:$0x2];
	s3 =	simm.s32 $0x0  }
0x4: {  	s4 =	srdreg.scid;
	s5 =	stileid.u32;
	s11 =	simm.s32 $0x3  }
0x5: {  	s12 =	simm.s32 $0x6400;
	s13 =	simm.s32 $0x80;
	s14 =	simm.s32 $0x9600  }
0x6: {  	s15 =	simm.s32 $0xB600;
	s16 =	simm.s32 $0x100;
	s17 =	simm.s32 $0xD600  }
0x7: {  	s18 =	simm.s32 $0x180;
	s19 =	simm.s32 $0xF600;
	s20 =	simm.s32 $0x200  }
0x8: {  	s21 =	simm.s32 $0x11600;
	s22 =	simm.s32 $0x1;
	s23 =	simm.s32 $0x2  }
0x9: {  	s24 =	simm.s32 $0x0;
	[smem:$0x7FF] =	sst s3;
	s4 =	sand.u32 $0x1, s4  }
0xa: {  	v0 =	vlaneseq.u32;
	s5 =	sshll.u32 s5, $0xB;
	s7 =	ssub.s32 $0x2, s4;
	s6 =	sshll.u32 s4, $0xA  }
0xb: {  	v0 =	vmul.u32 $0x88, v0;
	_ =	strace $0x80000047;
	s8 =	sshrl.u32 s7, $0x1;
	s5 =	sor.u32 s6, s5  }
0xc: {  	s4 =	sadd.s32 $0x600, s2;
	s30 =	ssub.s32 s7, s8;
	s31 =	sshrl.u32 s5, $0x3  }
0xd: {  	s6 =	sadd.s32 $0x1E84E00, s2;
	v1 =	vadd.s32 $0x880, v0;
	v2 =	vadd.s32 $0x1100, v0;
	v3 =	vadd.s32 $0x1980, v0;
	s7 =	sadd.s32 s0, s31;
	s8 =	smax.u32 s30, $0x1  }
.LBB2_1:
0xe: {  	s0 =	simm.s32 $0x400;
	s2 =	simm.s32 $0x8000  }
0xf: {  	[tilespmem:s3], [sflag:$0x3] =	stream.strided.gather [hbm4b:s7+s0], $0x6400, s2, s0, $0x38;
	[tilespmem:$0x1DC00] =	vst v63  }
0x10: {  	_ =	swait.ge [sflag:s11], $0x6400  }
0x11: {  	[sflag:s11] =	ssyncset.done $0x0  }
0x12: {  	[sflag:s11] =	ssyncadd.s32 $0xFFFF9C00  }
0x13: {  	[tilespmem:s12], [sflag:$0x3] =	stream.linear.gather [hbm4b:s4+s3], $0x3200, $0x38;
	[tilespmem:$0x1DC00] =	vst v63  }
0x14: {  	_ =	swait.ge [sflag:s11], $0x3200  }
0x15: {  	[sflag:s11] =	ssyncset.done $0x0  }
0x16: {  	[sflag:s11] =	ssyncadd.s32 $0xFFFFCE00  }
0x17: {  	[tilespmem:s14], [sflag:$0x1] =	stream.indirect.gather [hbm4b:s6+s13], $0x40, s3, s13, $0xb8;
	[tilespmem:$0x1DC00] =	vst v63  }
0x18: {  	_ = 	snop  }
0x19: {  	[tilespmem:s15], [sflag:$0x1] =	stream.indirect.gather [hbm4b:s6+s13], $0x40, s13, s13, $0xb8;
	[tilespmem:$0x1DC00] =	vst v63  }
0x1a: {  	_ = 	snop  }
0x1b: {  	[tilespmem:s17], [sflag:$0x1] =	stream.indirect.gather [hbm4b:s6+s13], $0x40, s16, s13, $0xb8;
	[tilespmem:$0x1DC00] =	vst v63  }
0x1c: {  	_ = 	snop  }
0x1d: {  	[tilespmem:s19], [sflag:$0x1] =	stream.indirect.gather [hbm4b:s6+s13], $0x40, s18, s13, $0xb8;
	[tilespmem:$0x1DC00] =	vst v63  }
0x1e: {  	s25 =	simm.s32 $0x96F0;
	s26 =	simm.s32 $0x17600;
	s28 =	simm.s32 $0x0  }
0x1f: {  	[tilespmem:s21], [sflag:$0x1] =	stream.indirect.gather [hbm4b:s6+s13], $0x40, s20, s13, $0xb8;
	[tilespmem:$0x1DC00] =	vst v63  }
.LBB2_2:
0x20: {  	p0 =	sgt.u32 s28, $0xC2  }
0x21: {  	s0 =	sadd.s32 @!p0 $0x5, s28  }
0x22: {  	s2 =	smul.u32 @!p0 $0x25, s0;
	_ =	sdelay $0x1  }
0x23: {  	s2 =	sshrl.u32 @!p0 s2, $0x8  }
0x24: {  	s9 =	ssub.s32 @!p0 s0, s2  }
0x25: {  	s9 =	sand.u32 @!p0 $0xFE, s9  }
0x26: {  	s9 =	sshrl.u32 @!p0 s9, $0x1  }
0x27: {  	s2 =	sadd.s32 @!p0 s2, s9  }
0x28: {  	s2 =	sand.u32 @!p0 $0xFC, s2  }
0x29: {  	s9 =	smulhi.u32 $0x24924925, s28;
	s2 =	sshrl.u32 @!p0 s2, $0x2  }
0x2a: {  	s2 =	smul.u32 @!p0 $0x7, s2  }
0x2b: {  	s10 =	ssub.s32 s28, s9  }
0x2c: {  	s10 =	sshrl.u32 s10, $0x1;
	s2 =	ssub.s32 @!p0 s0, s2  }
0x2d: {  	s9 =	sadd.s32 s9, s10;
	s10 =	simm.s32 @!p0 $0x80;
	s2 =	sand.u32 @!p0 $0xFF, s2  }
0x2e: {  	s9 =	sshrl.u32 s9, $0x2;
	s0 =	sshll.u32 @!p0 s0, $0x7;
	s2 =	sshll.u32 @!p0 s2, $0xD  }
0x2f: {  	s9 =	smul.u32 $0xFFFC8000, s9;
	s0 =	sand.u32 @!p0 $0xFF80, s0;
	s2 =	sadd.s32 @!p0 $0x9600, s2  }
0x30: {  	[tilespmem:s2], [sflag:$0x1] =	stream.indirect.gather @!p0 [hbm4b:s6+s10], $0x40, s0, s10, $0xb8;
	[tilespmem:$0x1DC00] =	vst v63  }
0x31: {  	_ =	swait.ge [sflag:s22], $0x2000  }
0x32: {  	s9 =	sshra.s32 s9, $0x2;
	p0 =	slt.u32 s28, $0x3;
	[sflag:s22] =	ssyncset.done $0x0  }
0x33: {  	s10 =	smul.u32 $0xAB, s28;
	v4 =	vmov s9;
	s2 =	simm.s32 @!p0 $0x2;
	[sflag:s22] =	ssyncadd.s32 $0xFFFFE000  }
0x34: {  	_ =	swait.ge @!p0 [sflag:s2], $0x2000  }
0x35: {  	s9 =	sshrl.u32 s10, $0x9;
	s10 =	sshll.u32 s28, $0x6;
	[sflag:s2] =	ssyncset.done @!p0 $0x0  }
0x36: {  	s0 =	sand.u32 $0x7F, s9;
	[sflag:s2] =	ssyncadd.s32 @!p0 $0xFFFFE000;
	s2 =	sand.u32 $0x3FFFFFC0, s10  }
0x37: {  	s0 =	smul.u32 $0x3, s0;
	s10 =	simm.s32 $0x3;
	v9 =	vld [tilespmem:s2+$0x6400]  }
0x38: {  	v8 =	vld.idx.msk [tilespmem:v4+s25+$0xFFFFFFD0 ss:$0x1], $0xffff;
	v5 =	vmov s10  }
0x39: {  	s0 =	ssub.s32 s28, s0;
	v15 =	vand.u32 $0x7F, v5  }
0x3a: {  	v7 =	vld [tilespmem:s2+$0x6410];
	s0 =	sand.u32 $0xFF, s0;
	s10 =	simm.s32 $0x0;
	v10 =	vadd.s32 v0, v15  }
0x3b: {  	v12 =	vld.idx.msk [tilespmem:v4+s25+$0xFFFFFF10 ss:$0x1], $0xffff;
	s0 =	smul.u32 $0x8800, s0;
	v5 =	vmov s10;
	s10 =	simm.s32 $0x1  }
0x3c: {  	v13 =	vld.idx.msk [tilespmem:v4+s25+$0xFFFFFF50 ss:$0x1], $0xffff;
	v16 =	vand.u32 $0x7C, v5;
	v11 =	vmov s10  }
0x3d: {  	v6 =	vld [tilespmem:s2+$0x6420];
	s10 =	simm.s32 $0x2;
	s0 =	sshrl.u32 s0, $0x2;
	v14 =	vadd.s32 v0, v16;
	v21 =	vand.u32 $0x7D, v11;
	v8 =	vadd.f32 v8, v9  }
0x3e: {  	v17 =	vld.idx.msk [tilespmem:v4+s25+$0xFFFFFF90 ss:$0x1], $0xffff;
	v11 =	vmov s10;
	s29 =	sadd.s32 $0x17600, s0;
	v18 =	vadd.s32 v0, v21  }
0x3f: {  	v5 =	vld [tilespmem:s2+$0x6430];
	v11 =	vand.u32 $0x7E, v11;
	[tilespmem:v10+s29+$0x0] =	vst.idx.msk $0xffff, v8  }
0x40: {  	v8 =	vadd.s32 v0, v11;
	v10 =	vadd.f32 v12, v9;
	v12 =	vld.idx.msk [tilespmem:v4+s25+$0xFFFFFFE0 ss:$0x1], $0xffff  }
0x41: {  	v13 =	vadd.f32 v13, v9  }
0x42: {  	[tilespmem:v14+s29+$0x0] =	vst.idx.msk $0xffff, v10;
	v10 =	vadd.s32 v1, v15  }
0x43: {  	v14 =	vadd.f32 v17, v9;
	[tilespmem:v18+s29+$0x0] =	vst.idx.msk $0xffff, v13;
	v17 =	vld.idx.msk [tilespmem:v4+s25+$0xFFFFFF20 ss:$0x1], $0xffff  }
0x44: {  	v13 =	vld.idx.msk [tilespmem:v4+s25+$0xFFFFFF60 ss:$0x1], $0xffff  }
0x45: {  	[tilespmem:v8+s29+$0x0] =	vst.idx.msk $0xffff, v14;
	v14 =	vadd.s32 v1, v16;
	v8 =	vadd.f32 v12, v7  }
0x46: {  	s31 =	sadd.s32 $0x100, s25;
	s9 =	simm.s32 $0x7;
	s2 =	simm.s32 $0x4;
	v18 =	vadd.s32 v1, v21;
	v12 =	vld.idx.msk [tilespmem:v4+s25+$0xFFFFFFA0 ss:$0x1], $0xffff  }
0x47: {  	v20 =	vld.idx.msk [tilespmem:v4+s31+$0xFFFFFFD0 ss:$0x1], $0xffff;
	v19 =	vmov s2;
	[tilespmem:v10+s29+$0x0] =	vst.idx.msk $0xffff, v8;
	v8 =	vmov s9  }
0x48: {  	v22 =	vadd.s32 v1, v11;
	v17 =	vadd.f32 v17, v7;
	v23 =	vld.idx.msk [tilespmem:v4+s25+$0xFFFFFFF0 ss:$0x1], $0xffff;
	v10 =	vand.u32 $0x7F, v8  }
0x49: {  	s10 =	simm.s32 $0x5;
	v13 =	vadd.f32 v13, v7;
	v8 =	vand.u32 $0x7C, v19;
	v19 =	vld.idx.msk [tilespmem:v4+s31+$0xFFFFFF10 ss:$0x1], $0xffff;
	v24 =	vadd.s32 v0, v10  }
0x4a: {  	v26 =	vadd.s32 v2, v15;
	s2 =	simm.s32 $0x6;
	v25 =	vadd.s32 v0, v8;
	[tilespmem:v14+s29+$0x0] =	vst.idx.msk $0xffff, v17;
	v14 =	vmov s10;
	v17 =	vld.idx.msk [tilespmem:v4+s31+$0xFFFFFF50 ss:$0x1], $0xffff  }
0x4b: {  	[tilespmem:v18+s29+$0x0] =	vst.idx.msk $0xffff, v13;
	v18 =	vld.idx.msk [tilespmem:v4+s31+$0xFFFFFF90 ss:$0x1], $0xffff;
	v27 =	vadd.f32 v12, v7;
	v12 =	vmov s2;
	v13 =	vand.u32 $0x7D, v14  }
0x4c: {  	v28 =	vld.idx.msk [tilespmem:v4+s25+$0xFFFFFF30 ss:$0x1], $0xffff;
	v14 =	vadd.f32 v20, v9;
	v12 =	vand.u32 $0x7E, v12;
	v29 =	vadd.s32 v0, v13  }
0x4d: {  	v20 =	vld.idx.msk [tilespmem:v4+s25+$0xFFFFFF70 ss:$0x1], $0xffff;
	[tilespmem:v22+s29+$0x0] =	vst.idx.msk $0xffff, v27;
	v22 =	vadd.s32 v0, v12;
	v23 =	vadd.f32 v23, v6  }
0x4e: {  	v27 =	vld.idx.msk [tilespmem:v4+s25+$0xFFFFFFB0 ss:$0x1], $0xffff;
	v19 =	vadd.f32 v19, v9;
	[tilespmem:v24+s29+$0x0] =	vst.idx.msk $0xffff, v14;
	v24 =	vadd.s32 v2, v16  }
0x4f: {  	v31 =	vadd.s32 v2, v21;
	v17 =	vadd.f32 v17, v9;
	v30 =	vld.idx.msk [tilespmem:v4+s31+$0xFFFFFFE0 ss:$0x1], $0xffff;
	[tilespmem:v26+s29+$0x0] =	vst.idx.msk $0xffff, v23  }
0x50: {  	v18 =	vadd.f32 v18, v9;
	[tilespmem:v25+s29+$0x0] =	vst.idx.msk $0xffff, v19;
	v19 =	vadd.s32 v2, v11;
	v26 =	vld.idx.msk [tilespmem:v4+s25+$0x0 ss:$0x1], $0xffff  }
0x51: {  	v21 =	vadd.s32 v3, v21;
	s9 =	smulhi.u32 $0xAAAAAAAB, s28;
	s2 =	simm.s32 $0x8;
	v25 =	vadd.f32 v28, v6;
	v32 =	vld.idx.msk [tilespmem:v4+s31+$0xFFFFFF20 ss:$0x1], $0xffff;
	[tilespmem:v29+s29+$0x0] =	vst.idx.msk $0xffff, v17  }
0x52: {  	v33 =	vadd.s32 v1, v10;
	v14 =	vmov s2;
	v23 =	vld.idx.msk [tilespmem:v4+s31+$0xFFFFFF60 ss:$0x1], $0xffff;
	[tilespmem:v22+s29+$0x0] =	vst.idx.msk $0xffff, v18;
	v18 =	vadd.f32 v20, v6  }
0x53: {  	s0 =	sshrl.u32 s9, $0x1;
	v14 =	vand.u32 $0x7C, v14;
	v17 =	vld.idx.msk [tilespmem:v4+s31+$0xFFFFFFA0 ss:$0x1], $0xffff;
	v22 =	vadd.f32 v27, v6;
	[tilespmem:v24+s29+$0x0] =	vst.idx.msk $0xffff, v25  }
0x54: {  	s0 =	smul.u32 $0xFFFE6800, s0;
	v27 =	vadd.s32 v3, v15;
	v15 =	vadd.s32 v3, v16;
	[tilespmem:v31+s29+$0x0] =	vst.idx.msk $0xffff, v18;
	v20 =	vld.idx.msk [tilespmem:v4+s25+$0xFFFFFF40 ss:$0x1], $0xffff  }
0x55: {  	v25 =	vadd.s32 v1, v8;
	v30 =	vadd.f32 v30, v7;
	v18 =	vld.idx.msk [tilespmem:v4+s25+$0xFFFFFF80 ss:$0x1], $0xffff;
	[tilespmem:v19+s29+$0x0] =	vst.idx.msk $0xffff, v22  }
0x56: {  	s10 =	sshra.s32 s0, $0x2;
	s0 =	sadd.s32 $0x100, s31;
	v16 =	vadd.s32 v0, v14;
	v24 =	vadd.s32 v1, v13;
	v22 =	vadd.s32 v1, v12;
	v19 =	vld.idx.msk [tilespmem:v4+s25+$0xFFFFFFC0 ss:$0x1], $0xffff  }
0x57: {  	s9 =	simm.s32 $0xC;
	s30 =	sadd.s32 s10, s26;
	s10 =	simm.s32 $0xB;
	v29 =	vadd.f32 v26, v5;
	v26 =	vld.idx.msk [tilespmem:v4+s0+$0xFFFFFFD0 ss:$0x1], $0xffff;
	v28 =	vadd.f32 v32, v7;
	[tilespmem:v33+s29+$0x0] =	vst.idx.msk $0xffff, v30  }
.LBB2_3:
0x58: {  	v30 =	vmov s10;
	v23 =	vadd.f32 v23, v7;
	v31 =	vld.idx.msk [tilespmem:v4+s31+$0xFFFFFFF0 ss:$0x1], $0xffff;
	v32 =	vadd.s32 v3, v11  }
0x59: {  	p0 =	slt.u32 s9, $0x7C;
	[tilespmem:v27+s29+$0x0] =	vst.idx.msk $0xffff, v29;
	v27 =	vmovc v10;
	v33 =	vmovc v13;
	v11 =	vmov v12;
	v29 =	vmov v8;
	v8 =	vmov v14  }
0x5a: {  	s10 =	sadd.s32 $0x1, s2;
	v12 =	vadd.f32 v17, v7;
	v14 =	vld.idx.msk [tilespmem:v4+s0+$0xFFFFFF10 ss:$0x1], $0xffff;
	v10 =	vand.u32 $0x7F, v30;
	[tilespmem:v25+s29+$0x0] =	vst.idx.msk $0xffff, v28  }
0x5b: {  	v13 =	vmov s10;
	s10 =	sadd.s32 $0x2, s2;
	v20 =	vadd.f32 v20, v5;
	s2 =	smov.u32 s9;
	v17 =	vld.idx.msk [tilespmem:v4+s0+$0xFFFFFF50 ss:$0x1], $0xffff;
	v25 =	vadd.s32 v0, v10;
	[tilespmem:v24+s29+$0x0] =	vst.idx.msk $0xffff, v23  }
0x5c: {  	v23 =	vmov s10;
	v18 =	vadd.f32 v18, v5;
	v24 =	vld.idx.msk [tilespmem:v4+s0+$0xFFFFFF90 ss:$0x1], $0xffff;
	[tilespmem:v22+s29+$0x0] =	vst.idx.msk $0xffff, v12;
	v22 =	vadd.s32 v2, v27  }
0x5d: {  	v13 =	vand.u32 $0x7D, v13;
	v12 =	vand.u32 $0x7E, v23;
	v23 =	vld.idx.msk [tilespmem:v4+s31+$0xFFFFFF30 ss:$0x1], $0xffff;
	[tilespmem:v15+s29+$0x0] =	vst.idx.msk $0xffff, v20;
	v15 =	vadd.f32 v19, v5  }
0x5e: {  	v19 =	vadd.s32 v0, v13;
	v20 =	vadd.f32 v26, v9;
	v26 =	vld.idx.msk [tilespmem:v4+s31+$0xFFFFFF70 ss:$0x1], $0xffff;
	[tilespmem:v21+s29+$0x0] =	vst.idx.msk $0xffff, v18  }
0x5f: {  	v18 =	vadd.s32 v0, v12;
	v28 =	vadd.f32 v31, v6;
	v21 =	vld.idx.msk [tilespmem:v4+s31+$0xFFFFFFB0 ss:$0x1], $0xffff;
	[tilespmem:v32+s29+$0x0] =	vst.idx.msk $0xffff, v15  }
0x60: {  	v14 =	vadd.f32 v14, v9;
	v15 =	vadd.s32 v2, v29;
	[tilespmem:v25+s29+$0x0] =	vst.idx.msk $0xffff, v20  }
0x61: {  	v31 =	vadd.s32 v2, v33;
	v17 =	vadd.f32 v17, v9;
	v30 =	vld.idx.msk [tilespmem:v4+s0+$0xFFFFFFE0 ss:$0x1], $0xffff;
	[tilespmem:v22+s29+$0x0] =	vst.idx.msk $0xffff, v28  }
0x62: {  	v20 =	vmov s9;
	v22 =	vadd.s32 v2, v11;
	[tilespmem:v16+s29+$0x0] =	vst.idx.msk $0xffff, v14;
	v16 =	vadd.f32 v24, v9;
	v28 =	vld.idx.msk [tilespmem:v4+s31+$0x0 ss:$0x1], $0xffff  }
0x63: {  	v14 =	vand.u32 $0x7C, v20;
	v32 =	vld.idx.msk [tilespmem:v4+s0+$0xFFFFFF20 ss:$0x1], $0xffff;
	[tilespmem:v19+s29+$0x0] =	vst.idx.msk $0xffff, v17;
	v19 =	vadd.f32 v23, v6  }
0x64: {  	v34 =	vadd.s32 v1, v10;
	v23 =	vld.idx.msk [tilespmem:v4+s0+$0xFFFFFF60 ss:$0x1], $0xffff;
	[tilespmem:v18+s29+$0x0] =	vst.idx.msk $0xffff, v16;
	v16 =	vadd.f32 v26, v6  }
.Ltmp0:
0x65: {  	v27 =	vadd.s32 v3, v27;
	v17 =	vld.idx.msk [tilespmem:v4+s0+$0xFFFFFFA0 ss:$0x1], $0xffff;
	[tilespmem:v15+s29+$0x0] =	vst.idx.msk $0xffff, v19;
	v19 =	vadd.f32 v21, v6;
	(pc) =	sbr.rel @p0 .LBB2_3-.Ltmp0, $4  }
0x66: {  	v25 =	vadd.s32 v1, v8;
	v15 =	vadd.s32 v3, v29;
	v20 =	vld.idx.msk [tilespmem:v4+s31+$0xFFFFFF40 ss:$0x1], $0xffff;
	[tilespmem:v31+s29+$0x0] =	vst.idx.msk $0xffff, v16  }
0x67: {  	v24 =	vadd.s32 v1, v13;
	v21 =	vadd.f32 v30, v7;
	v18 =	vld.idx.msk [tilespmem:v4+s31+$0xFFFFFF80 ss:$0x1], $0xffff;
	[tilespmem:v22+s29+$0x0] =	vst.idx.msk $0xffff, v19  }
0x68: {  	v16 =	vadd.s32 v0, v14;
	v22 =	vadd.s32 v1, v12;
	v29 =	vadd.f32 v28, v5;
	v19 =	vld.idx.msk [tilespmem:v4+s31+$0xFFFFFFC0 ss:$0x1], $0xffff;
	s31 =	smov.u32 s0;
	s0 =	sadd.s32 $0x100, s0  }
0x69: {  	s10 =	sadd.s32 $0x3, s2;
	s9 =	sadd.s32 $0x4, s9;
	v28 =	vadd.f32 v32, v7;
	v26 =	vld.idx.msk [tilespmem:v4+s0+$0xFFFFFFD0 ss:$0x1], $0xffff;
	[tilespmem:v34+s29+$0x0] =	vst.idx.msk $0xffff, v21;
	v21 =	vadd.s32 v3, v33  }
0x6a: {  	_ =	sdelay $0x2  }
0x6b: {  	v30 =	vmov s10  }
0x6c: {  	v31 =	vld.idx.msk [tilespmem:v4+s0+$0xFFFFFF10 ss:$0x1], $0xffff;
	s9 =	sadd.s32 $0x1, s2;
	v30 =	vand.u32 $0x7F, v30  }
0x6d: {  	v33 =	vld.idx.msk [tilespmem:v4+s0+$0xFFFFFF50 ss:$0x1], $0xffff;
	s10 =	sadd.s32 $0x2, s2;
	v32 =	vmov s9;
	v34 =	vadd.s32 v0, v30  }
0x6e: {  	v36 =	vld.idx.msk [tilespmem:v4+s0+$0xFFFFFF90 ss:$0x1], $0xffff;
	v35 =	vmov s10;
	v32 =	vand.u32 $0x7D, v32  }
0x6f: {  	[tilespmem:v27+s29+$0x0] =	vst.idx.msk $0xffff, v29;
	v23 =	vadd.f32 v23, v7;
	v27 =	vand.u32 $0x7E, v35;
	v37 =	vadd.s32 v0, v32  }
0x70: {  	[tilespmem:v25+s29+$0x0] =	vst.idx.msk $0xffff, v28;
	v39 =	vadd.s32 v0, v27;
	v38 =	vadd.f32 v26, v9  }
0x71: {  	[tilespmem:v24+s29+$0x0] =	vst.idx.msk $0xffff, v23;
	v40 =	vadd.f32 v31, v9  }
0x72: {  	v41 =	vadd.f32 v33, v9;
	[tilespmem:v34+s29+$0x0] =	vst.idx.msk $0xffff, v38  }
0x73: {  	v42 =	vadd.f32 v36, v9;
	[tilespmem:v16+s29+$0x0] =	vst.idx.msk $0xffff, v40;
	v25 =	vld.idx.msk [tilespmem:v4+s0+$0xFFFFFFE0 ss:$0x1], $0xffff  }
0x74: {  	v11 =	vadd.s32 v3, v11;
	v43 =	vadd.f32 v17, v7;
	v44 =	vld.idx.msk [tilespmem:v4+s0+$0xFFFFFF20 ss:$0x1], $0xffff;
	[tilespmem:v37+s29+$0x0] =	vst.idx.msk $0xffff, v41  }
0x75: {  	v20 =	vadd.f32 v20, v5;
	v46 =	vadd.s32 v1, v30;
	[tilespmem:v39+s29+$0x0] =	vst.idx.msk $0xffff, v42;
	v45 =	vld.idx.msk [tilespmem:v4+s0+$0xFFFFFF60 ss:$0x1], $0xffff  }
0x76: {  	v49 =	vadd.s32 v1, v14;
	[tilespmem:v22+s29+$0x0] =	vst.idx.msk $0xffff, v43;
	v47 =	vadd.f32 v18, v5;
	v48 =	vld.idx.msk [tilespmem:v4+s0+$0xFFFFFFA0 ss:$0x1], $0xffff  }
0x77: {  	v50 =	vld.idx.msk [tilespmem:v4+s31+$0xFFFFFFF0 ss:$0x1], $0xffff;
	[tilespmem:v15+s29+$0x0] =	vst.idx.msk $0xffff, v20;
	v51 =	vadd.f32 v19, v5;
	v52 =	vadd.s32 v1, v32  }
0x78: {  	v55 =	vadd.s32 v1, v27;
	v59 =	vld.idx.msk [tilespmem:v4+s31+$0xFFFFFFB0 ss:$0x1], $0xffff;
	[tilespmem:v21+s29+$0x0] =	vst.idx.msk $0xffff, v47;
	v54 =	vadd.f32 v25, v7  }
0x79: {  	v56 =	vadd.s32 v2, v10;
	v53 =	vld.idx.msk [tilespmem:v4+s31+$0xFFFFFF30 ss:$0x1], $0xffff;
	[tilespmem:v11+s29+$0x0] =	vst.idx.msk $0xffff, v51;
	v58 =	vadd.f32 v44, v7  }
0x7a: {  	v57 =	vld.idx.msk [tilespmem:v4+s31+$0xFFFFFF70 ss:$0x1], $0xffff;
	v31 =	vadd.s32 v2, v12;
	v61 =	vadd.f32 v45, v7;
	[tilespmem:v46+s29+$0x0] =	vst.idx.msk $0xffff, v54  }
0x7b: {  	v60 =	vadd.s32 v2, v8;
	v28 =	vadd.f32 v48, v7;
	[tilespmem:v49+s29+$0x0] =	vst.idx.msk $0xffff, v58;
	v63 =	vld.idx.msk [tilespmem:v4+s0+$0xFFFFFFF0 ss:$0x1], $0xffff  }
0x7c: {  	v62 =	vadd.s32 v2, v13;
	v29 =	vadd.f32 v50, v6;
	[tilespmem:v52+s29+$0x0] =	vst.idx.msk $0xffff, v61;
	v33 =	vld.idx.msk [tilespmem:v4+s0+$0xFFFFFF30 ss:$0x1], $0xffff  }
0x7d: {  	v35 =	vadd.s32 v2, v30;
	v15 =	vadd.f32 v59, v6;
	[tilespmem:v55+s29+$0x0] =	vst.idx.msk $0xffff, v28;
	v36 =	vld.idx.msk [tilespmem:v4+s0+$0xFFFFFF70 ss:$0x1], $0xffff  }
0x7e: {  	v34 =	vadd.f32 v53, v6;
	[tilespmem:v56+s29+$0x0] =	vst.idx.msk $0xffff, v29;
	v38 =	vadd.s32 v2, v14;
	v21 =	vld.idx.msk [tilespmem:v4+s0+$0xFFFFFFB0 ss:$0x1], $0xffff  }
0x7f: {  	v40 =	vadd.s32 v2, v32;
	v37 =	vadd.f32 v57, v6;
	v39 =	vld.idx.msk [tilespmem:v4+s31+$0x0 ss:$0x1], $0xffff;
	[tilespmem:v31+s29+$0x0] =	vst.idx.msk $0xffff, v15  }
0x80: {  	v42 =	vadd.s32 v2, v27;
	[tilespmem:v60+s29+$0x0] =	vst.idx.msk $0xffff, v34;
	v15 =	vld.idx.msk [tilespmem:v4+s31+$0xFFFFFFC0 ss:$0x1], $0xffff;
	v41 =	vadd.f32 v63, v6  }
0x81: {  	v43 =	vadd.s32 v3, v10;
	v19 =	vld.idx.msk [tilespmem:v4+s31+$0xFFFFFF40 ss:$0x1], $0xffff;
	[tilespmem:v62+s29+$0x0] =	vst.idx.msk $0xffff, v37;
	v9 =	vadd.f32 v33, v6  }
0x82: {  	v51 =	vadd.s32 v3, v12;
	v44 =	vld.idx.msk [tilespmem:v4+s31+$0xFFFFFF80 ss:$0x1], $0xffff;
	v46 =	vadd.f32 v36, v6;
	[tilespmem:v35+s29+$0x0] =	vst.idx.msk $0xffff, v41  }
0x83: {  	v45 =	vadd.s32 v3, v8;
	v49 =	vadd.f32 v21, v6;
	[tilespmem:v38+s29+$0x0] =	vst.idx.msk $0xffff, v9;
	v48 =	vld.idx.msk [tilespmem:v4+s0+$0x0 ss:$0x1], $0xffff  }
0x84: {  	v47 =	vadd.s32 v3, v13;
	v50 =	vadd.f32 v39, v5;
	v52 =	vld.idx.msk [tilespmem:v4+s0+$0xFFFFFF40 ss:$0x1], $0xffff;
	[tilespmem:v40+s29+$0x0] =	vst.idx.msk $0xffff, v46  }
0x85: {  	v54 =	vadd.s32 v3, v30;
	v58 =	vadd.f32 v15, v5;
	[tilespmem:v42+s29+$0x0] =	vst.idx.msk $0xffff, v49;
	v55 =	vld.idx.msk [tilespmem:v4+s0+$0xFFFFFF80 ss:$0x1], $0xffff  }
0x86: {  	v57 =	vadd.s32 v3, v14;
	v53 =	vadd.f32 v19, v5;
	[tilespmem:v43+s29+$0x0] =	vst.idx.msk $0xffff, v50;
	v4 =	vld.idx.msk [tilespmem:v4+s0+$0xFFFFFFC0 ss:$0x1], $0xffff  }
0x87: {  	v59 =	vadd.s32 v3, v32;
	v56 =	vadd.f32 v44, v5;
	[tilespmem:v51+s29+$0x0] =	vst.idx.msk $0xffff, v58  }
0x88: {  	v61 =	vadd.s32 v3, v27;
	[tilespmem:v45+s29+$0x0] =	vst.idx.msk $0xffff, v53;
	v60 =	vadd.f32 v48, v5  }
0x89: {  	[tilespmem:v47+s29+$0x0] =	vst.idx.msk $0xffff, v56;
	v62 =	vadd.f32 v52, v5  }
0x8a: {  	s2 =	sshll.u32 s28, $0x12;
	v63 =	vadd.f32 v55, v5;
	[tilespmem:v54+s29+$0x0] =	vst.idx.msk $0xffff, v60  }
0x8b: {  	s0 =	sor.u32 s5, s2;
	v4 =	vadd.f32 v4, v5;
	[tilespmem:v57+s29+$0x0] =	vst.idx.msk $0xffff, v62  }
0x8c: {  	s0 =	sshrl.u32 s0, $0x3;
	[tilespmem:v59+s29+$0x0] =	vst.idx.msk $0xffff, v63  }
0x8d: {  	s10 =	sadd.s32 $0x0, s30;
	s0 =	sadd.s32 s1, s0;
	[tilespmem:v61+s29+$0x0] =	vst.idx.msk $0xffff, v4  }
0x8e: {  	[hbm4b:s0+s3] =	stream.linear.scatter [tilespmem:s10], [sflag:$0x2], $0x80, $0x38;
	[tilespmem:$0x1DC00] =	vst v63  }
0x8f: {  	s9 =	sadd.s32 $0x88, s10;
	s31 =	sadd.s32 $0x10, s0  }
0x90: {  	[hbm4b:s31+s3] =	stream.linear.scatter [tilespmem:s9], [sflag:$0x2], $0x80, $0x38;
	[tilespmem:$0x1DC00] =	vst v63  }
0x91: {  	s9 =	sadd.s32 $0x110, s10;
	s31 =	sadd.s32 $0x20, s0  }
0x92: {  	[hbm4b:s31+s3] =	stream.linear.scatter [tilespmem:s9], [sflag:$0x2], $0x80, $0x38;
	[tilespmem:$0x1DC00] =	vst v63  }
0x93: {  	s9 =	sadd.s32 $0x198, s10;
	s31 =	sadd.s32 $0x30, s0  }
0x94: {  	[hbm4b:s31+s3] =	stream.linear.scatter [tilespmem:s9], [sflag:$0x2], $0x80, $0x38;
	[tilespmem:$0x1DC00] =	vst v63  }
0x95: {  	s9 =	sadd.s32 $0x220, s10;
	s31 =	sadd.s32 $0x40, s0  }
0x96: {  	[hbm4b:s31+s3] =	stream.linear.scatter [tilespmem:s9], [sflag:$0x2], $0x80, $0x38;
	[tilespmem:$0x1DC00] =	vst v63  }
0x97: {  	s2 =	simm.s32 $0x440;
	s9 =	sadd.s32 $0x2A8, s10;
	s31 =	sadd.s32 $0x50, s0  }
0x98: {  	[hbm4b:s31+s3] =	stream.linear.scatter [tilespmem:s9], [sflag:$0x2], $0x80, $0x38;
	[tilespmem:$0x1DC00] =	vst v63  }
0x99: {  	s29 =	sadd.s32 $0x70, s0;
	s9 =	sadd.s32 $0x330, s10;
	s31 =	sadd.s32 $0x60, s0  }
0x9a: {  	[hbm4b:s31+s3] =	stream.linear.scatter [tilespmem:s9], [sflag:$0x2], $0x80, $0x38;
	[tilespmem:$0x1DC00] =	vst v63  }
0x9b: {  	s10 =	sadd.s32 $0x3B8, s10;
	s0 =	sadd.s32 $0x1000, s0;
	s9 =	simm.s32 $0x2200  }
.LBB2_5:
0x9c: {  	[hbm4b:s29+s3] =	stream.linear.scatter [tilespmem:s10], [sflag:$0x2], $0x80, $0x38;
	[tilespmem:$0x1DC00] =	vst v63  }
0x9d: {  	s10 =	smov.u32 s9  }
0x9e: {  	s31 =	sadd.s32 $0x1100, s9;
	s29 =	sadd.s32 s2, s30;
	s2 =	sshra.s32 s10, $0x2  }
0x9f: {  	[hbm4b:s0+s3] =	stream.linear.scatter [tilespmem:s29], [sflag:$0x2], $0x80, $0x38;
	[tilespmem:$0x1DC00] =	vst v63  }
0xa0: {  	p0 =	sne.s32 s9, $0x7700;
	s9 =	sadd.s32 $0x88, s29;
	s10 =	sadd.s32 $0x10, s0  }
0xa1: {  	[hbm4b:s10+s3] =	stream.linear.scatter [tilespmem:s9], [sflag:$0x2], $0x80, $0x38;
	[tilespmem:$0x1DC00] =	vst v63  }
0xa2: {  	s9 =	sadd.s32 $0x110, s29;
	s10 =	sadd.s32 $0x20, s0  }
0xa3: {  	[hbm4b:s10+s3] =	stream.linear.scatter [tilespmem:s9], [sflag:$0x2], $0x80, $0x38;
	[tilespmem:$0x1DC00] =	vst v63  }
0xa4: {  	s9 =	sadd.s32 $0x198, s29;
	s10 =	sadd.s32 $0x30, s0  }
0xa5: {  	[hbm4b:s10+s3] =	stream.linear.scatter [tilespmem:s9], [sflag:$0x2], $0x80, $0x38;
	[tilespmem:$0x1DC00] =	vst v63  }
0xa6: {  	s9 =	sadd.s32 $0x220, s29;
	s10 =	sadd.s32 $0x40, s0  }
0xa7: {  	[hbm4b:s10+s3] =	stream.linear.scatter [tilespmem:s9], [sflag:$0x2], $0x80, $0x38;
	[tilespmem:$0x1DC00] =	vst v63  }
0xa8: {  	s9 =	sadd.s32 $0x2A8, s29;
	s10 =	sadd.s32 $0x50, s0  }
0xa9: {  	[hbm4b:s10+s3] =	stream.linear.scatter [tilespmem:s9], [sflag:$0x2], $0x80, $0x38;
	[tilespmem:$0x1DC00] =	vst v63  }
.Ltmp1:
0xaa: {  	_ = 	snop;
	(pc) =	sbr.rel @p0 .LBB2_5-.Ltmp1, $4  }
0xab: {  	s9 =	sadd.s32 $0x330, s29;
	s10 =	sadd.s32 $0x60, s0  }
0xac: {  	[hbm4b:s10+s3] =	stream.linear.scatter [tilespmem:s9], [sflag:$0x2], $0x80, $0x38;
	[tilespmem:$0x1DC00] =	vst v63  }
0xad: {  	s10 =	sadd.s32 $0x3B8, s29  }
0xae: {  	s29 =	sadd.s32 $0x70, s0;
	s0 =	sadd.s32 $0x1000, s0;
	s9 =	smov.u32 s31  }
0xaf: {  	[hbm4b:s29+s3] =	stream.linear.scatter [tilespmem:s10], [sflag:$0x2], $0x80, $0x38;
	[tilespmem:$0x1DC00] =	vst v63  }
0xb0: {  	s2 =	sadd.s32 s2, s30  }
0xb1: {  	[hbm4b:s0+s3] =	stream.linear.scatter [tilespmem:s2], [sflag:$0x2], $0x80, $0x38;
	[tilespmem:$0x1DC00] =	vst v63  }
0xb2: {  	s31 =	sadd.s32 $0x10, s0;
	s9 =	sadd.s32 $0x88, s2  }
0xb3: {  	[hbm4b:s31+s3] =	stream.linear.scatter [tilespmem:s9], [sflag:$0x2], $0x80, $0x38;
	[tilespmem:$0x1DC00] =	vst v63  }
0xb4: {  	s29 =	sadd.s32 $0x20, s0;
	s10 =	sadd.s32 $0x110, s2  }
0xb5: {  	[hbm4b:s29+s3] =	stream.linear.scatter [tilespmem:s10], [sflag:$0x2], $0x80, $0x38;
	[tilespmem:$0x1DC00] =	vst v63  }
0xb6: {  	s30 =	sadd.s32 $0x198, s2;
	s31 =	sadd.s32 $0x30, s0  }
0xb7: {  	[hbm4b:s31+s3] =	stream.linear.scatter [tilespmem:s30], [sflag:$0x2], $0x80, $0x38;
	[tilespmem:$0x1DC00] =	vst v63  }
0xb8: {  	s28 =	sadd.s32 $0x1, s28;
	s10 =	sadd.s32 $0x220, s2;
	s29 =	sadd.s32 $0x40, s0  }
0xb9: {  	[hbm4b:s29+s3] =	stream.linear.scatter [tilespmem:s10], [sflag:$0x2], $0x80, $0x38;
	[tilespmem:$0x1DC00] =	vst v63  }
0xba: {  	p0 =	sne.s32 s28, $0xC8;
	s30 =	sadd.s32 $0x2A8, s2;
	s31 =	sadd.s32 $0x50, s0  }
0xbb: {  	[hbm4b:s31+s3] =	stream.linear.scatter [tilespmem:s30], [sflag:$0x2], $0x80, $0x38;
	[tilespmem:$0x1DC00] =	vst v63  }
.Ltmp2:
0xbc: {  	_ = 	snop;
	(pc) =	sbr.rel @p0 .LBB2_2-.Ltmp2, $4  }
0xbd: {  	s25 =	sadd.s32 $0x2000, s25;
	s29 =	sadd.s32 $0x330, s2;
	s30 =	sadd.s32 $0x60, s0  }
0xbe: {  	[hbm4b:s30+s3] =	stream.linear.scatter [tilespmem:s29], [sflag:$0x2], $0x80, $0x38;
	[tilespmem:$0x1DC00] =	vst v63  }
0xbf: {  	s26 =	sadd.s32 $0x2200, s26;
	s2 =	sadd.s32 $0x3B8, s2;
	s31 =	sadd.s32 $0x70, s0  }
0xc0: {  	[hbm4b:s31+s3] =	stream.linear.scatter [tilespmem:s2], [sflag:$0x2], $0x80, $0x38;
	[tilespmem:$0x1DC00] =	vst v63  }
0xc1: {  	_ =	swait.ge [sflag:s23], $0x2000  }
0xc2: {  	[sflag:s23] =	ssyncset.done $0x0  }
0xc3: {  	s24 =	sadd.s32 $0x1, s24;
	[sflag:s23] =	ssyncadd.s32 $0xFFFFE000  }
0xc4: {  	p0 =	sne.s32 s24, s8;
	_ =	swait.ge [sflag:s23], $0x2000  }
.Ltmp3:
0xc5: {  	[sflag:s23] =	ssyncset.done $0x0;
	(pc) =	sbr.rel @p0 .LBB2_1-.Ltmp3, $4  }
0xc6: {  	[sflag:s23] =	ssyncadd.s32 $0xFFFFE000  }
0xc7: {  	_ =	swait.ge [sflag:s23], $0x2000  }
0xc8: {  	[sflag:s23] =	ssyncset.done $0x0  }
0xc9: {  	[sflag:s23] =	ssyncadd.s32 $0xFFFFE000  }
0xca: {  	_ =	sfence.sel $0x180000  }
0xcb: {  	[bflag:$0x0] =	sbarrier.arrive $0xFFFF  }
0xcc: {  	_ =	strace $0x90000047  }
0xcd: {  	s0 =	stileid.u32;
	[bflag:$0x2] =	sbarrier.arrive $0xFFFF  }
0xce: {  	p0 =	sne.s32 s0, $0x0;
	s0 =	rddreg [dreg:$0x3]  }
0xcf: {  	s0 =	sadd.s32 @!p0 $0x100000, s0  }
0xd0: {  	[sflag:s0] =	ssyncadd.tile.s32 @!p0 $0x1;
	_ =	shalt  }
.Lfunc_end2:
_tile_overlayer_lowered:
.L_overlay_start_2:
0xd1: {  	(tag) =	ssettag $0x2  }
0xd2: {  	s0 =	rddreg [dreg:$0x0];
	s2 =	stileid.u32  }
0xd3: {  	s1 =	rddreg [dreg:$0x1];
	p0 =	sne.s32 s2, $0x0  }
0xd4: {  	s3 =	rddreg [dreg:$0x2];
	[bflag:$0x3] =	sbarrier.arrive $0xFFFF;
	s2 =	simm.s32 @!p0 $0x1C03  }
0xd5: {  	[timem:s3], [sflag:s2] =	dma.local @!p0 [hbm:s0], s1  }
0xd6: {  	s0 =	simm.s32 @!p0 $0x3  }
0xd7: {  	_ =	swait.ge @!p0 [sflag:s0], s1  }
0xd8: {  	s1 =	ssub.s32 @!p0 $0x0, s1;
	[sflag:s0] =	ssyncset.done @!p0 $0x0  }
0xd9: {  	[sflag:s0] =	ssyncadd.s32 @!p0 s1  }
0xda: {  	[bflag:$0x3] =	sbarrier.arrive $0xFFFF  }
0xdb: {  	_ =	shalt  }

</sc_bundles>
